<compile_context>
chip_gen: v7x
topology: tpu7x:2x2x1
jax: 0.10.2.dev20260603
libtpu: 0.0.44.dev20260713+nightly
codegen_flags: <defaults>
</compile_context>

<pallas_src>
import jax
import jax.numpy as jnp
from jax import lax
from jax.experimental import pallas as pl
from jax.experimental.pallas import tpu as pltpu
from jax.experimental.pallas import tpu_sc as plsc

N_ROWS = 10000
D = 128
NUM_GRAPHS = 64
NC, NS = 2, 16
NW = NC * NS
ROWS_PER = 320
TAIL = N_ROWS - ROWS_PER * (NW - 1)
CH = 80
NCH = ROWS_PER // CH


def _sc_body(x_hbm, b_hbm, ps_hbm, pc_hbm,
             x_v, ids_v, cnt_v, zbuf_v, acc_sh, sem, xsem):
    cid = lax.axis_index("c")
    sid = lax.axis_index("s")
    wid = sid * NC + cid
    base = wid * ROWS_PER
    is_tail = wid == NW - 1

    zero16 = jnp.zeros((16,), jnp.float32)
    ones16 = jnp.ones((16,), jnp.float32)

    @pl.when(jnp.logical_not(is_tail))
    def _():
        for j in range(NCH):
            pltpu.sync_copy(b_hbm.at[pl.ds(base + j * CH, CH)], ids_v.at[j])
        for j in range(NCH):
            pltpu.async_copy(x_hbm.at[pl.ds(base + j * CH, CH)],
                             x_v.at[pl.ds(j * CH, CH)], xsem)

    @pl.when(is_tail)
    def _():
        pltpu.sync_copy(b_hbm.at[pl.ds(base, TAIL)], ids_v.at[0])
        pltpu.async_copy(x_hbm.at[pl.ds(base, TAIL)],
                         x_v.at[pl.ds(0, TAIL)], xsem)

    @pl.when(sid == 0)
    def _():
        def zrow(i, c):
            for k in range(D // 16):
                zbuf_v[i, pl.ds(k * 16, 16)] = zero16
            return c

        lax.fori_loop(0, NUM_GRAPHS, zrow, 0)
        pltpu.sync_copy(zbuf_v, acc_sh)

    def zb(i, c):
        cnt_v[i] = zero16
        return c

    lax.fori_loop(0, NUM_GRAPHS, zb, 0)

    def grp(g, c):
        idv = ids_v[g // (CH // 16), pl.ds((g % (CH // 16)) * 16, 16)]
        for l in range(16):
            plsc.addupdate(cnt_v.at[idv[l]], ones16)
        return c

    ngrp = jnp.where(is_tail, TAIL // 16, ROWS_PER // 16)
    lax.fori_loop(0, ngrp, grp, 0)

    plsc.subcore_barrier()

    @pl.when(jnp.logical_not(is_tail))
    def _():
        for j in range(NCH):
            pltpu.make_async_copy(x_hbm.at[pl.ds(base + j * CH, CH)],
                                  x_v.at[pl.ds(j * CH, CH)], xsem).wait()
        for j in range(NCH):
            pltpu.async_copy(x_v.at[pl.ds(j * CH, CH)],
                             acc_sh.at[ids_v.at[j]], sem, add=True)
        for j in range(NCH):
            pltpu.make_async_copy(x_v.at[pl.ds(j * CH, CH)],
                                  acc_sh.at[ids_v.at[j]], sem).wait()

    @pl.when(is_tail)
    def _():
        pltpu.make_async_copy(x_hbm.at[pl.ds(base, TAIL)],
                              x_v.at[pl.ds(0, TAIL)], xsem).wait()
        pltpu.async_copy(x_v.at[pl.ds(0, TAIL)],
                         acc_sh.at[ids_v.at[0]], sem, add=True)
        pltpu.make_async_copy(x_v.at[pl.ds(0, TAIL)],
                              acc_sh.at[ids_v.at[0]], sem).wait()

    plsc.subcore_barrier()

    @pl.when(sid == 0)
    def _():
        pltpu.sync_copy(acc_sh, ps_hbm.at[cid])

    pltpu.sync_copy(cnt_v, pc_hbm.at[wid])


@jax.jit
def _segment_partials(x, batch_i32):
    mesh = plsc.VectorSubcoreMesh(core_axis_name="c", subcore_axis_name="s",
                                  num_cores=NC, num_subcores=NS)
    f = pl.kernel(
        _sc_body,
        out_type=(
            jax.ShapeDtypeStruct((NC, NUM_GRAPHS, D), jnp.float32),
            jax.ShapeDtypeStruct((NW, NUM_GRAPHS, 16), jnp.float32),
        ),
        mesh=mesh,
        scratch_types=[
            pltpu.VMEM((ROWS_PER, D), jnp.float32),
            pltpu.VMEM((NCH, CH), jnp.int32),
            pltpu.VMEM((NUM_GRAPHS, 16), jnp.float32),
            pltpu.VMEM((NUM_GRAPHS, D), jnp.float32),
            pltpu.VMEM_SHARED((NUM_GRAPHS, D), jnp.float32),
            pltpu.SemaphoreType.DMA,
            pltpu.SemaphoreType.DMA,
        ],
        compiler_params=pltpu.CompilerParams(use_tc_tiling_on_sc=True),
    )
    return f(x, batch_i32)


def _tc_body(ps_ref, pc_ref, u_ref, w1t_ref, b1_ref, w2_ref, b2_ref, yt_ref):
    sums = ps_ref[0] + ps_ref[1]
    cnt = jnp.sum(pc_ref[...], axis=0)[:, :1]
    agg = sums / jnp.maximum(cnt, 1.0)
    out = jnp.concatenate([u_ref[...], agg], axis=1)
    h1 = lax.dot_general(out, w1t_ref[...],
                         (((1,), (1,)), ((), ())))
    h = jnp.maximum(h1 + b1_ref[...], 0.0)
    y = h @ w2_ref[...] + b2_ref[...]
    yt_ref[...] = y.T


@jax.jit
def _pool_mlp(ps, pc, u, W1, b1, W2, b2):
    yt = pl.pallas_call(
        _tc_body,
        out_shape=jax.ShapeDtypeStruct((32, NUM_GRAPHS), jnp.float32),
    )(ps, pc, u, W1.T, b1.reshape(1, 32), W2, b2.reshape(1, 32))
    return yt.T


def kernel(x, edge_index, edge_attr, u, batch, W1, b1, W2, b2):
    del edge_index, edge_attr
    batch_i32 = batch.astype(jnp.int32)
    ps, pc = _segment_partials(x, batch_i32)
    return _pool_mlp(ps, pc, u, W1, b1, W2, b2)

# --- scband reference (transcript-rebuilt; emitter-appended) ---
"""Pipeline reference for scband-global-block-33122787787022 (READ-ONLY COPY).

The authoritative reference and input builder live on the scoring server;
editing this copy changes nothing except your own understanding.
"""

import jax, jax.numpy as jnp
import numpy as np

NUM_GRAPHS = 64

def setup_inputs(seed: int = 0) -> dict:
    key = jax.random.key(seed)
    ks = jax.random.split(key, 10)
    x = jax.random.normal(ks[0], (10000, 128), dtype=jnp.float32)
    edge_index = jax.random.randint(ks[1], (2, 320000), 0, 10000, dtype=jnp.int64)
    edge_attr = jax.random.normal(ks[2], (320000, 4), dtype=jnp.float32)
    u = jax.random.normal(ks[3], (NUM_GRAPHS, 128), dtype=jnp.float32)
    batch = jnp.sort(jax.random.randint(ks[4], (10000,), 0, NUM_GRAPHS, dtype=jnp.int64))
    # MLP params: Linear(256 -> 32), Linear(32 -> 32)
    W1 = jax.random.normal(ks[5], (256, 32), dtype=jnp.float32) * (1.0 / np.sqrt(256))
    b1 = jnp.zeros((32,), dtype=jnp.float32)
    W2 = jax.random.normal(ks[6], (32, 32), dtype=jnp.float32) * (1.0 / np.sqrt(32))
    b2 = jnp.zeros((32,), dtype=jnp.float32)
    return {"x": x, "edge_index": edge_index, "edge_attr": edge_attr, "u": u,
            "batch": batch, "W1": W1, "b1": b1, "W2": W2, "b2": b2}

def reference(x, edge_index, edge_attr, u, batch, W1, b1, W2, b2):
    # node_aggregation == 'mean': scatter_mean(x, batch, dim=0)
    sums = jax.ops.segment_sum(x, batch, num_segments=NUM_GRAPHS)
    counts = jax.ops.segment_sum(jnp.ones((x.shape[0],), dtype=x.dtype), batch,
                                 num_segments=NUM_GRAPHS)
    agg_nodes = sums / jnp.maximum(counts, 1.0)[:, None]
    out = jnp.concatenate([u, agg_nodes], axis=1)
    # global_mlp: Linear -> ReLU -> Dropout(eval: identity) -> Linear
    h = jax.nn.relu(out @ W1 + b1)
    y = h @ W2 + b2
    return y

if __name__ == "__main__":
    import jax
    _d = setup_inputs()
    print(jax.jit(kernel)(*tuple(_d.values())))

</pallas_src>

<mosaic_0001>
#map = affine_map<(d0, d1) -> (0, 0)>
#map1 = affine_map<(d0, d1) -> (0)>
#map2 = affine_map<(d0, d1) -> (0, 0, 0)>
module attributes {stable_mosaic.version = 14 : i64} {
  func.func @_sc_body(%arg0: i32, %arg1: i32, %arg2: memref<10000x128xf32, #tpu.memory_space<hbm>>, %arg3: memref<10000xi32, #tpu.memory_space<hbm>>, %arg4: memref<2x64x128xf32, #tpu.memory_space<hbm>>, %arg5: memref<32x64x16xf32, #tpu.memory_space<hbm>>, %arg6: memref<320x128xf32, #tpu.memory_space<vmem>>, %arg7: memref<4x80xi32, #tpu.memory_space<vmem>>, %arg8: memref<64x16xf32, #tpu.memory_space<vmem>>, %arg9: memref<64x128xf32, #tpu.memory_space<vmem>>, %arg10: memref<64x128xf32, #tpu.memory_space<vmem_shared>>, %arg11: memref<!tpu.dma_semaphore, #tpu.memory_space<semaphore_mem>>, %arg12: memref<!tpu.dma_semaphore, #tpu.memory_space<semaphore_mem>>) attributes {dimension_semantics = [#tpu.dimension_semantics<core_parallel>, #tpu.dimension_semantics<subcore_parallel>], iteration_bounds = array<i64: 2, 16>, scalar_prefetch = 0 : i64, scratch_operands = 7 : i64, tpu.core_type = #tpu.core_type<sc_vector_subcore>, window_params = [{transform_indices = #map}, {transform_indices = #map1}, {transform_indices = #map2}, {transform_indices = #map2}]} {
    %mul3A = arith.constant 2 : i32
    %mul3A_0 = arith.muli %arg1, %mul3A : i32
    %add3A = arith.addi %mul3A_0, %arg0 : i32
    %mul3A_1 = arith.constant 320 : i32
    %mul3A_2 = arith.muli %add3A, %mul3A_1 : i32
    %eq3A = arith.constant 31 : i32
    %eq3A_3 = arith.cmpi eq, %add3A, %eq3A : i32
    %broadcast_in_dim3A = arith.constant 0.000000e+00 : f32
    %broadcast_in_dim3A_4 = vector.broadcast %broadcast_in_dim3A : f32 to vector<16xf32>
    %broadcast_in_dim3A_5 = arith.constant 1.000000e+00 : f32
    %broadcast_in_dim3A_6 = vector.broadcast %broadcast_in_dim3A_5 : f32 to vector<16xf32>
    %not3A = arith.constant true
    %not3A_7 = arith.xori %eq3A_3, %not3A : i1
    %convert_element_type3A = arith.extui %not3A_7 : i1 to i32
    %cond3A = arith.constant 0 : i32
    %cond3A_8 = arith.cmpi ne, %convert_element_type3A, %cond3A : i32
    scf.if %cond3A_8 {
      %add3A_46 = arith.constant 0 : i32
      %add3A_47 = arith.addi %mul3A_2, %add3A_46 : i32
      %run_scoped3A = arith.constant 0 : i32
      "tpu.region"() ({
        %run_scoped3A_104 = tpu.sem_alloc : memref<!tpu.dma_semaphore, #tpu.memory_space<semaphore_mem>>
        %dma_start3A_105 = arith.constant 0 : i32
        %dma_start3A_106 = tpu.memref_slice %arg7[%run_scoped3A, %dma_start3A_105] : memref<4x80xi32, #tpu.memory_space<vmem>> -> memref<1x80xi32, #tpu.memory_space<vmem>>
        %dma_start3A_107 = tpu.memref_squeeze %dma_start3A_106 : memref<1x80xi32, #tpu.memory_space<vmem>> -> memref<80xi32, #tpu.memory_space<vmem>>
        %dma_start3A_108 = tpu.memref_slice %arg3[%add3A_47] : memref<10000xi32, #tpu.memory_space<hbm>> -> memref<80xi32, #tpu.memory_space<hbm>>
        %dma_start3A_109 = arith.constant 0 : i32
        %dma_start3A_110 = tpu.memref_slice %arg7[%run_scoped3A, %dma_start3A_109] : memref<4x80xi32, #tpu.memory_space<vmem>> -> memref<1x80xi32, #tpu.memory_space<vmem>>
        %dma_start3A_111 = tpu.memref_squeeze %dma_start3A_110 : memref<1x80xi32, #tpu.memory_space<vmem>> -> memref<80xi32, #tpu.memory_space<vmem>>
        %dma_start3A_112 = tpu.memref_slice %arg3[%add3A_47] : memref<10000xi32, #tpu.memory_space<hbm>> -> memref<80xi32, #tpu.memory_space<hbm>>
        tpu.enqueue_dma source(%dma_start3A_112 : memref<80xi32, #tpu.memory_space<hbm>>) target(%dma_start3A_111 : memref<80xi32, #tpu.memory_space<vmem>>) target_semaphore(%run_scoped3A_104 : memref<!tpu.dma_semaphore, #tpu.memory_space<semaphore_mem>>)
        %dma_wait3A = arith.constant 0 : i32
        %dma_wait3A_113 = tpu.memref_slice %arg7[%run_scoped3A, %dma_wait3A] : memref<4x80xi32, #tpu.memory_space<vmem>> -> memref<1x80xi32, #tpu.memory_space<vmem>>
        %dma_wait3A_114 = tpu.memref_squeeze %dma_wait3A_113 : memref<1x80xi32, #tpu.memory_space<vmem>> -> memref<80xi32, #tpu.memory_space<vmem>>
        %dma_wait3A_115 = tpu.memref_slice %arg3[%add3A_47] : memref<10000xi32, #tpu.memory_space<hbm>> -> memref<80xi32, #tpu.memory_space<hbm>>
        %dma_wait3A_116 = arith.constant 0 : i32
        %dma_wait3A_117 = tpu.memref_slice %arg7[%run_scoped3A, %dma_wait3A_116] : memref<4x80xi32, #tpu.memory_space<vmem>> -> memref<1x80xi32, #tpu.memory_space<vmem>>
        %dma_wait3A_118 = tpu.memref_squeeze %dma_wait3A_117 : memref<1x80xi32, #tpu.memory_space<vmem>> -> memref<80xi32, #tpu.memory_space<vmem>>
        %dma_wait3A_119 = tpu.memref_slice %arg3[%add3A_47] : memref<10000xi32, #tpu.memory_space<hbm>> -> memref<80xi32, #tpu.memory_space<hbm>>
        tpu.wait_dma2 semaphore(%run_scoped3A_104 : memref<!tpu.dma_semaphore, #tpu.memory_space<semaphore_mem>>) src(%dma_wait3A_119 : memref<80xi32, #tpu.memory_space<hbm>>) dst(%dma_wait3A_118 : memref<80xi32, #tpu.memory_space<vmem>>)
        tpu.yield
      }) : () -> ()
      %add3A_48 = arith.constant 80 : i32
      %add3A_49 = arith.addi %mul3A_2, %add3A_48 : i32
      %run_scoped3A_50 = arith.constant 1 : i32
      "tpu.region"() ({
        %run_scoped3A_104 = tpu.sem_alloc : memref<!tpu.dma_semaphore, #tpu.memory_space<semaphore_mem>>
        %dma_start3A_105 = arith.constant 0 : i32
        %dma_start3A_106 = tpu.memref_slice %arg7[%run_scoped3A_50, %dma_start3A_105] : memref<4x80xi32, #tpu.memory_space<vmem>> -> memref<1x80xi32, #tpu.memory_space<vmem>>
        %dma_start3A_107 = tpu.memref_squeeze %dma_start3A_106 : memref<1x80xi32, #tpu.memory_space<vmem>> -> memref<80xi32, #tpu.memory_space<vmem>>
        %dma_start3A_108 = tpu.memref_slice %arg3[%add3A_49] : memref<10000xi32, #tpu.memory_space<hbm>> -> memref<80xi32, #tpu.memory_space<hbm>>
        %dma_start3A_109 = arith.constant 0 : i32
        %dma_start3A_110 = tpu.memref_slice %arg7[%run_scoped3A_50, %dma_start3A_109] : memref<4x80xi32, #tpu.memory_space<vmem>> -> memref<1x80xi32, #tpu.memory_space<vmem>>
        %dma_start3A_111 = tpu.memref_squeeze %dma_start3A_110 : memref<1x80xi32, #tpu.memory_space<vmem>> -> memref<80xi32, #tpu.memory_space<vmem>>
        %dma_start3A_112 = tpu.memref_slice %arg3[%add3A_49] : memref<10000xi32, #tpu.memory_space<hbm>> -> memref<80xi32, #tpu.memory_space<hbm>>
        tpu.enqueue_dma source(%dma_start3A_112 : memref<80xi32, #tpu.memory_space<hbm>>) target(%dma_start3A_111 : memref<80xi32, #tpu.memory_space<vmem>>) target_semaphore(%run_scoped3A_104 : memref<!tpu.dma_semaphore, #tpu.memory_space<semaphore_mem>>)
        %dma_wait3A = arith.constant 0 : i32
        %dma_wait3A_113 = tpu.memref_slice %arg7[%run_scoped3A_50, %dma_wait3A] : memref<4x80xi32, #tpu.memory_space<vmem>> -> memref<1x80xi32, #tpu.memory_space<vmem>>
        %dma_wait3A_114 = tpu.memref_squeeze %dma_wait3A_113 : memref<1x80xi32, #tpu.memory_space<vmem>> -> memref<80xi32, #tpu.memory_space<vmem>>
        %dma_wait3A_115 = tpu.memref_slice %arg3[%add3A_49] : memref<10000xi32, #tpu.memory_space<hbm>> -> memref<80xi32, #tpu.memory_space<hbm>>
        %dma_wait3A_116 = arith.constant 0 : i32
        %dma_wait3A_117 = tpu.memref_slice %arg7[%run_scoped3A_50, %dma_wait3A_116] : memref<4x80xi32, #tpu.memory_space<vmem>> -> memref<1x80xi32, #tpu.memory_space<vmem>>
        %dma_wait3A_118 = tpu.memref_squeeze %dma_wait3A_117 : memref<1x80xi32, #tpu.memory_space<vmem>> -> memref<80xi32, #tpu.memory_space<vmem>>
        %dma_wait3A_119 = tpu.memref_slice %arg3[%add3A_49] : memref<10000xi32, #tpu.memory_space<hbm>> -> memref<80xi32, #tpu.memory_space<hbm>>
        tpu.wait_dma2 semaphore(%run_scoped3A_104 : memref<!tpu.dma_semaphore, #tpu.memory_space<semaphore_mem>>) src(%dma_wait3A_119 : memref<80xi32, #tpu.memory_space<hbm>>) dst(%dma_wait3A_118 : memref<80xi32, #tpu.memory_space<vmem>>)
        tpu.yield
      }) : () -> ()
      %add3A_51 = arith.constant 160 : i32
      %add3A_52 = arith.addi %mul3A_2, %add3A_51 : i32
      %run_scoped3A_53 = arith.constant 2 : i32
      "tpu.region"() ({
        %run_scoped3A_104 = tpu.sem_alloc : memref<!tpu.dma_semaphore, #tpu.memory_space<semaphore_mem>>
        %dma_start3A_105 = arith.constant 0 : i32
        %dma_start3A_106 = tpu.memref_slice %arg7[%run_scoped3A_53, %dma_start3A_105] : memref<4x80xi32, #tpu.memory_space<vmem>> -> memref<1x80xi32, #tpu.memory_space<vmem>>
        %dma_start3A_107 = tpu.memref_squeeze %dma_start3A_106 : memref<1x80xi32, #tpu.memory_space<vmem>> -> memref<80xi32, #tpu.memory_space<vmem>>
        %dma_start3A_108 = tpu.memref_slice %arg3[%add3A_52] : memref<10000xi32, #tpu.memory_space<hbm>> -> memref<80xi32, #tpu.memory_space<hbm>>
        %dma_start3A_109 = arith.constant 0 : i32
        %dma_start3A_110 = tpu.memref_slice %arg7[%run_scoped3A_53, %dma_start3A_109] : memref<4x80xi32, #tpu.memory_space<vmem>> -> memref<1x80xi32, #tpu.memory_space<vmem>>
        %dma_start3A_111 = tpu.memref_squeeze %dma_start3A_110 : memref<1x80xi32, #tpu.memory_space<vmem>> -> memref<80xi32, #tpu.memory_space<vmem>>
        %dma_start3A_112 = tpu.memref_slice %arg3[%add3A_52] : memref<10000xi32, #tpu.memory_space<hbm>> -> memref<80xi32, #tpu.memory_space<hbm>>
        tpu.enqueue_dma source(%dma_start3A_112 : memref<80xi32, #tpu.memory_space<hbm>>) target(%dma_start3A_111 : memref<80xi32, #tpu.memory_space<vmem>>) target_semaphore(%run_scoped3A_104 : memref<!tpu.dma_semaphore, #tpu.memory_space<semaphore_mem>>)
        %dma_wait3A = arith.constant 0 : i32
        %dma_wait3A_113 = tpu.memref_slice %arg7[%run_scoped3A_53, %dma_wait3A] : memref<4x80xi32, #tpu.memory_space<vmem>> -> memref<1x80xi32, #tpu.memory_space<vmem>>
        %dma_wait3A_114 = tpu.memref_squeeze %dma_wait3A_113 : memref<1x80xi32, #tpu.memory_space<vmem>> -> memref<80xi32, #tpu.memory_space<vmem>>
        %dma_wait3A_115 = tpu.memref_slice %arg3[%add3A_52] : memref<10000xi32, #tpu.memory_space<hbm>> -> memref<80xi32, #tpu.memory_space<hbm>>
        %dma_wait3A_116 = arith.constant 0 : i32
        %dma_wait3A_117 = tpu.memref_slice %arg7[%run_scoped3A_53, %dma_wait3A_116] : memref<4x80xi32, #tpu.memory_space<vmem>> -> memref<1x80xi32, #tpu.memory_space<vmem>>
        %dma_wait3A_118 = tpu.memref_squeeze %dma_wait3A_117 : memref<1x80xi32, #tpu.memory_space<vmem>> -> memref<80xi32, #tpu.memory_space<vmem>>
        %dma_wait3A_119 = tpu.memref_slice %arg3[%add3A_52] : memref<10000xi32, #tpu.memory_space<hbm>> -> memref<80xi32, #tpu.memory_space<hbm>>
        tpu.wait_dma2 semaphore(%run_scoped3A_104 : memref<!tpu.dma_semaphore, #tpu.memory_space<semaphore_mem>>) src(%dma_wait3A_119 : memref<80xi32, #tpu.memory_space<hbm>>) dst(%dma_wait3A_118 : memref<80xi32, #tpu.memory_space<vmem>>)
        tpu.yield
      }) : () -> ()
      %add3A_54 = arith.constant 240 : i32
      %add3A_55 = arith.addi %mul3A_2, %add3A_54 : i32
      %run_scoped3A_56 = arith.constant 3 : i32
      "tpu.region"() ({
        %run_scoped3A_104 = tpu.sem_alloc : memref<!tpu.dma_semaphore, #tpu.memory_space<semaphore_mem>>
        %dma_start3A_105 = arith.constant 0 : i32
        %dma_start3A_106 = tpu.memref_slice %arg7[%run_scoped3A_56, %dma_start3A_105] : memref<4x80xi32, #tpu.memory_space<vmem>> -> memref<1x80xi32, #tpu.memory_space<vmem>>
        %dma_start3A_107 = tpu.memref_squeeze %dma_start3A_106 : memref<1x80xi32, #tpu.memory_space<vmem>> -> memref<80xi32, #tpu.memory_space<vmem>>
        %dma_start3A_108 = tpu.memref_slice %arg3[%add3A_55] : memref<10000xi32, #tpu.memory_space<hbm>> -> memref<80xi32, #tpu.memory_space<hbm>>
        %dma_start3A_109 = arith.constant 0 : i32
        %dma_start3A_110 = tpu.memref_slice %arg7[%run_scoped3A_56, %dma_start3A_109] : memref<4x80xi32, #tpu.memory_space<vmem>> -> memref<1x80xi32, #tpu.memory_space<vmem>>
        %dma_start3A_111 = tpu.memref_squeeze %dma_start3A_110 : memref<1x80xi32, #tpu.memory_space<vmem>> -> memref<80xi32, #tpu.memory_space<vmem>>
        %dma_start3A_112 = tpu.memref_slice %arg3[%add3A_55] : memref<10000xi32, #tpu.memory_space<hbm>> -> memref<80xi32, #tpu.memory_space<hbm>>
        tpu.enqueue_dma source(%dma_start3A_112 : memref<80xi32, #tpu.memory_space<hbm>>) target(%dma_start3A_111 : memref<80xi32, #tpu.memory_space<vmem>>) target_semaphore(%run_scoped3A_104 : memref<!tpu.dma_semaphore, #tpu.memory_space<semaphore_mem>>)
        %dma_wait3A = arith.constant 0 : i32
        %dma_wait3A_113 = tpu.memref_slice %arg7[%run_scoped3A_56, %dma_wait3A] : memref<4x80xi32, #tpu.memory_space<vmem>> -> memref<1x80xi32, #tpu.memory_space<vmem>>
        %dma_wait3A_114 = tpu.memref_squeeze %dma_wait3A_113 : memref<1x80xi32, #tpu.memory_space<vmem>> -> memref<80xi32, #tpu.memory_space<vmem>>
        %dma_wait3A_115 = tpu.memref_slice %arg3[%add3A_55] : memref<10000xi32, #tpu.memory_space<hbm>> -> memref<80xi32, #tpu.memory_space<hbm>>
        %dma_wait3A_116 = arith.constant 0 : i32
        %dma_wait3A_117 = tpu.memref_slice %arg7[%run_scoped3A_56, %dma_wait3A_116] : memref<4x80xi32, #tpu.memory_space<vmem>> -> memref<1x80xi32, #tpu.memory_space<vmem>>
        %dma_wait3A_118 = tpu.memref_squeeze %dma_wait3A_117 : memref<1x80xi32, #tpu.memory_space<vmem>> -> memref<80xi32, #tpu.memory_space<vmem>>
        %dma_wait3A_119 = tpu.memref_slice %arg3[%add3A_55] : memref<10000xi32, #tpu.memory_space<hbm>> -> memref<80xi32, #tpu.memory_space<hbm>>
        tpu.wait_dma2 semaphore(%run_scoped3A_104 : memref<!tpu.dma_semaphore, #tpu.memory_space<semaphore_mem>>) src(%dma_wait3A_119 : memref<80xi32, #tpu.memory_space<hbm>>) dst(%dma_wait3A_118 : memref<80xi32, #tpu.memory_space<vmem>>)
        tpu.yield
      }) : () -> ()
      %add3A_57 = arith.constant 0 : i32
      %add3A_58 = arith.addi %mul3A_2, %add3A_57 : i32
      %dma_start3A = arith.constant 0 : i32
      %dma_start3A_59 = arith.constant 0 : i32
      %dma_start3A_60 = tpu.memref_slice %arg6[%dma_start3A, %dma_start3A_59] : memref<320x128xf32, #tpu.memory_space<vmem>> -> memref<80x128xf32, #tpu.memory_space<vmem>>
      %dma_start3A_61 = arith.constant 0 : i32
      %dma_start3A_62 = tpu.memref_slice %arg2[%add3A_58, %dma_start3A_61] : memref<10000x128xf32, #tpu.memory_space<hbm>> -> memref<80x128xf32, #tpu.memory_space<hbm>>
      %dma_start3A_63 = arith.constant 0 : i32
      %dma_start3A_64 = arith.constant 0 : i32
      %dma_start3A_65 = tpu.memref_slice %arg6[%dma_start3A_63, %dma_start3A_64] : memref<320x128xf32, #tpu.memory_space<vmem>> -> memref<80x128xf32, #tpu.memory_space<vmem>>
      %dma_start3A_66 = arith.constant 0 : i32
      %dma_start3A_67 = tpu.memref_slice %arg2[%add3A_58, %dma_start3A_66] : memref<10000x128xf32, #tpu.memory_space<hbm>> -> memref<80x128xf32, #tpu.memory_space<hbm>>
      tpu.enqueue_dma source(%dma_start3A_67 : memref<80x128xf32, #tpu.memory_space<hbm>>) target(%dma_start3A_65 : memref<80x128xf32, #tpu.memory_space<vmem>>) target_semaphore(%arg12 : memref<!tpu.dma_semaphore, #tpu.memory_space<semaphore_mem>>)
      %add3A_68 = arith.constant 80 : i32
      %add3A_69 = arith.addi %mul3A_2, %add3A_68 : i32
      %dma_start3A_70 = arith.constant 80 : i32
      %dma_start3A_71 = arith.constant 0 : i32
      %dma_start3A_72 = tpu.memref_slice %arg6[%dma_start3A_70, %dma_start3A_71] : memref<320x128xf32, #tpu.memory_space<vmem>> -> memref<80x128xf32, #tpu.memory_space<vmem>>
      %dma_start3A_73 = arith.constant 0 : i32
      %dma_start3A_74 = tpu.memref_slice %arg2[%add3A_69, %dma_start3A_73] : memref<10000x128xf32, #tpu.memory_space<hbm>> -> memref<80x128xf32, #tpu.memory_space<hbm>>
      %dma_start3A_75 = arith.constant 80 : i32
      %dma_start3A_76 = arith.constant 0 : i32
      %dma_start3A_77 = tpu.memref_slice %arg6[%dma_start3A_75, %dma_start3A_76] : memref<320x128xf32, #tpu.memory_space<vmem>> -> memref<80x128xf32, #tpu.memory_space<vmem>>
      %dma_start3A_78 = arith.constant 0 : i32
      %dma_start3A_79 = tpu.memref_slice %arg2[%add3A_69, %dma_start3A_78] : memref<10000x128xf32, #tpu.memory_space<hbm>> -> memref<80x128xf32, #tpu.memory_space<hbm>>
      tpu.enqueue_dma source(%dma_start3A_79 : memref<80x128xf32, #tpu.memory_space<hbm>>) target(%dma_start3A_77 : memref<80x128xf32, #tpu.memory_space<vmem>>) target_semaphore(%arg12 : memref<!tpu.dma_semaphore, #tpu.memory_space<semaphore_mem>>)
      %add3A_80 = arith.constant 160 : i32
      %add3A_81 = arith.addi %mul3A_2, %add3A_80 : i32
      %dma_start3A_82 = arith.constant 160 : i32
      %dma_start3A_83 = arith.constant 0 : i32
      %dma_start3A_84 = tpu.memref_slice %arg6[%dma_start3A_82, %dma_start3A_83] : memref<320x128xf32, #tpu.memory_space<vmem>> -> memref<80x128xf32, #tpu.memory_space<vmem>>
      %dma_start3A_85 = arith.constant 0 : i32
      %dma_start3A_86 = tpu.memref_slice %arg2[%add3A_81, %dma_start3A_85] : memref<10000x128xf32, #tpu.memory_space<hbm>> -> memref<80x128xf32, #tpu.memory_space<hbm>>
      %dma_start3A_87 = arith.constant 160 : i32
      %dma_start3A_88 = arith.constant 0 : i32
      %dma_start3A_89 = tpu.memref_slice %arg6[%dma_start3A_87, %dma_start3A_88] : memref<320x128xf32, #tpu.memory_space<vmem>> -> memref<80x128xf32, #tpu.memory_space<vmem>>
      %dma_start3A_90 = arith.constant 0 : i32
      %dma_start3A_91 = tpu.memref_slice %arg2[%add3A_81, %dma_start3A_90] : memref<10000x128xf32, #tpu.memory_space<hbm>> -> memref<80x128xf32, #tpu.memory_space<hbm>>
      tpu.enqueue_dma source(%dma_start3A_91 : memref<80x128xf32, #tpu.memory_space<hbm>>) target(%dma_start3A_89 : memref<80x128xf32, #tpu.memory_space<vmem>>) target_semaphore(%arg12 : memref<!tpu.dma_semaphore, #tpu.memory_space<semaphore_mem>>)
      %add3A_92 = arith.constant 240 : i32
      %add3A_93 = arith.addi %mul3A_2, %add3A_92 : i32
      %dma_start3A_94 = arith.constant 240 : i32
      %dma_start3A_95 = arith.constant 0 : i32
      %dma_start3A_96 = tpu.memref_slice %arg6[%dma_start3A_94, %dma_start3A_95] : memref<320x128xf32, #tpu.memory_space<vmem>> -> memref<80x128xf32, #tpu.memory_space<vmem>>
      %dma_start3A_97 = arith.constant 0 : i32
      %dma_start3A_98 = tpu.memref_slice %arg2[%add3A_93, %dma_start3A_97] : memref<10000x128xf32, #tpu.memory_space<hbm>> -> memref<80x128xf32, #tpu.memory_space<hbm>>
      %dma_start3A_99 = arith.constant 240 : i32
      %dma_start3A_100 = arith.constant 0 : i32
      %dma_start3A_101 = tpu.memref_slice %arg6[%dma_start3A_99, %dma_start3A_100] : memref<320x128xf32, #tpu.memory_space<vmem>> -> memref<80x128xf32, #tpu.memory_space<vmem>>
      %dma_start3A_102 = arith.constant 0 : i32
      %dma_start3A_103 = tpu.memref_slice %arg2[%add3A_93, %dma_start3A_102] : memref<10000x128xf32, #tpu.memory_space<hbm>> -> memref<80x128xf32, #tpu.memory_space<hbm>>
      tpu.enqueue_dma source(%dma_start3A_103 : memref<80x128xf32, #tpu.memory_space<hbm>>) target(%dma_start3A_101 : memref<80x128xf32, #tpu.memory_space<vmem>>) target_semaphore(%arg12 : memref<!tpu.dma_semaphore, #tpu.memory_space<semaphore_mem>>)
    } else {
    }
    %convert_element_type3A_9 = arith.extui %eq3A_3 : i1 to i32
    %cond3A_10 = arith.constant 0 : i32
    %cond3A_11 = arith.cmpi ne, %convert_element_type3A_9, %cond3A_10 : i32
    scf.if %cond3A_11 {
      %run_scoped3A = arith.constant 0 : i32
      "tpu.region"() ({
        %run_scoped3A_55 = tpu.sem_alloc : memref<!tpu.dma_semaphore, #tpu.memory_space<semaphore_mem>>
        %dma_start3A_56 = arith.constant 0 : i32
        %dma_start3A_57 = tpu.memref_slice %arg7[%run_scoped3A, %dma_start3A_56] : memref<4x80xi32, #tpu.memory_space<vmem>> -> memref<1x80xi32, #tpu.memory_space<vmem>>
        %dma_start3A_58 = tpu.memref_squeeze %dma_start3A_57 : memref<1x80xi32, #tpu.memory_space<vmem>> -> memref<80xi32, #tpu.memory_space<vmem>>
        %dma_start3A_59 = tpu.memref_slice %arg3[%mul3A_2] : memref<10000xi32, #tpu.memory_space<hbm>> -> memref<80xi32, #tpu.memory_space<hbm>>
        %dma_start3A_60 = arith.constant 0 : i32
        %dma_start3A_61 = tpu.memref_slice %arg7[%run_scoped3A, %dma_start3A_60] : memref<4x80xi32, #tpu.memory_space<vmem>> -> memref<1x80xi32, #tpu.memory_space<vmem>>
        %dma_start3A_62 = tpu.memref_squeeze %dma_start3A_61 : memref<1x80xi32, #tpu.memory_space<vmem>> -> memref<80xi32, #tpu.memory_space<vmem>>
        %dma_start3A_63 = tpu.memref_slice %arg3[%mul3A_2] : memref<10000xi32, #tpu.memory_space<hbm>> -> memref<80xi32, #tpu.memory_space<hbm>>
        tpu.enqueue_dma source(%dma_start3A_63 : memref<80xi32, #tpu.memory_space<hbm>>) target(%dma_start3A_62 : memref<80xi32, #tpu.memory_space<vmem>>) target_semaphore(%run_scoped3A_55 : memref<!tpu.dma_semaphore, #tpu.memory_space<semaphore_mem>>)
        %dma_wait3A = arith.constant 0 : i32
        %dma_wait3A_64 = tpu.memref_slice %arg7[%run_scoped3A, %dma_wait3A] : memref<4x80xi32, #tpu.memory_space<vmem>> -> memref<1x80xi32, #tpu.memory_space<vmem>>
        %dma_wait3A_65 = tpu.memref_squeeze %dma_wait3A_64 : memref<1x80xi32, #tpu.memory_space<vmem>> -> memref<80xi32, #tpu.memory_space<vmem>>
        %dma_wait3A_66 = tpu.memref_slice %arg3[%mul3A_2] : memref<10000xi32, #tpu.memory_space<hbm>> -> memref<80xi32, #tpu.memory_space<hbm>>
        %dma_wait3A_67 = arith.constant 0 : i32
        %dma_wait3A_68 = tpu.memref_slice %arg7[%run_scoped3A, %dma_wait3A_67] : memref<4x80xi32, #tpu.memory_space<vmem>> -> memref<1x80xi32, #tpu.memory_space<vmem>>
        %dma_wait3A_69 = tpu.memref_squeeze %dma_wait3A_68 : memref<1x80xi32, #tpu.memory_space<vmem>> -> memref<80xi32, #tpu.memory_space<vmem>>
        %dma_wait3A_70 = tpu.memref_slice %arg3[%mul3A_2] : memref<10000xi32, #tpu.memory_space<hbm>> -> memref<80xi32, #tpu.memory_space<hbm>>
        tpu.wait_dma2 semaphore(%run_scoped3A_55 : memref<!tpu.dma_semaphore, #tpu.memory_space<semaphore_mem>>) src(%dma_wait3A_70 : memref<80xi32, #tpu.memory_space<hbm>>) dst(%dma_wait3A_69 : memref<80xi32, #tpu.memory_space<vmem>>)
        tpu.yield
      }) : () -> ()
      %dma_start3A = arith.constant 0 : i32
      %dma_start3A_46 = arith.constant 0 : i32
      %dma_start3A_47 = tpu.memref_slice %arg6[%dma_start3A, %dma_start3A_46] : memref<320x128xf32, #tpu.memory_space<vmem>> -> memref<80x128xf32, #tpu.memory_space<vmem>>
      %dma_start3A_48 = arith.constant 0 : i32
      %dma_start3A_49 = tpu.memref_slice %arg2[%mul3A_2, %dma_start3A_48] : memref<10000x128xf32, #tpu.memory_space<hbm>> -> memref<80x128xf32, #tpu.memory_space<hbm>>
      %dma_start3A_50 = arith.constant 0 : i32
      %dma_start3A_51 = arith.constant 0 : i32
      %dma_start3A_52 = tpu.memref_slice %arg6[%dma_start3A_50, %dma_start3A_51] : memref<320x128xf32, #tpu.memory_space<vmem>> -> memref<80x128xf32, #tpu.memory_space<vmem>>
      %dma_start3A_53 = arith.constant 0 : i32
      %dma_start3A_54 = tpu.memref_slice %arg2[%mul3A_2, %dma_start3A_53] : memref<10000x128xf32, #tpu.memory_space<hbm>> -> memref<80x128xf32, #tpu.memory_space<hbm>>
      tpu.enqueue_dma source(%dma_start3A_54 : memref<80x128xf32, #tpu.memory_space<hbm>>) target(%dma_start3A_52 : memref<80x128xf32, #tpu.memory_space<vmem>>) target_semaphore(%arg12 : memref<!tpu.dma_semaphore, #tpu.memory_space<semaphore_mem>>)
    } else {
    }
    %eq3A_12 = arith.constant 0 : i32
    %eq3A_13 = arith.cmpi eq, %arg1, %eq3A_12 : i32
    %convert_element_type3A_14 = arith.extui %eq3A_13 : i1 to i32
    %cond3A_15 = arith.constant 0 : i32
    %cond3A_16 = arith.cmpi ne, %convert_element_type3A_14, %cond3A_15 : i32
    scf.if %cond3A_16 {
      %scan3A_46 = arith.constant 0 : i32
      %scan3A_47 = arith.constant 0 : i32
      %scan3A_48 = arith.constant 64 : i32
      %scan3A_49 = arith.addi %scan3A_47, %scan3A_48 : i32
      %scan3A_50 = arith.constant 1 : i32
      scf.for %scan3A_52 = %scan3A_47 to %scan3A_49 step %scan3A_50  : i32 {
        %swap3A = arith.index_cast %scan3A_52 : i32 to index
        %swap3A_53 = arith.constant 0 : index
        %swap3A_54 = tpu.vector_load %arg9[%swap3A, %swap3A_53] {strides = array<i32>} : memref<64x128xf32, #tpu.memory_space<vmem>>, vector<1x16xf32>,
        %swap3A_55 = vector.shape_cast %swap3A_54 : vector<1x16xf32> to vector<16xf32>
        %swap3A_56 = vector.shape_cast %broadcast_in_dim3A_4 : vector<16xf32> to vector<1x16xf32>
        tpu.vector_store %arg9[%swap3A, %swap3A_53], %swap3A_56 {strides = array<i32>} : memref<64x128xf32, #tpu.memory_space<vmem>>, vector<1x16xf32>,
        %swap3A_57 = arith.index_cast %scan3A_52 : i32 to index
        %swap3A_58 = arith.constant 16 : index
        %swap3A_59 = tpu.vector_load %arg9[%swap3A_57, %swap3A_58] {strides = array<i32>} : memref<64x128xf32, #tpu.memory_space<vmem>>, vector<1x16xf32>,
        %swap3A_60 = vector.shape_cast %swap3A_59 : vector<1x16xf32> to vector<16xf32>
        %swap3A_61 = vector.shape_cast %broadcast_in_dim3A_4 : vector<16xf32> to vector<1x16xf32>
        tpu.vector_store %arg9[%swap3A_57, %swap3A_58], %swap3A_61 {strides = array<i32>} : memref<64x128xf32, #tpu.memory_space<vmem>>, vector<1x16xf32>,
        %swap3A_62 = arith.index_cast %scan3A_52 : i32 to index
        %swap3A_63 = arith.constant 32 : index
        %swap3A_64 = tpu.vector_load %arg9[%swap3A_62, %swap3A_63] {strides = array<i32>} : memref<64x128xf32, #tpu.memory_space<vmem>>, vector<1x16xf32>,
        %swap3A_65 = vector.shape_cast %swap3A_64 : vector<1x16xf32> to vector<16xf32>
        %swap3A_66 = vector.shape_cast %broadcast_in_dim3A_4 : vector<16xf32> to vector<1x16xf32>
        tpu.vector_store %arg9[%swap3A_62, %swap3A_63], %swap3A_66 {strides = array<i32>} : memref<64x128xf32, #tpu.memory_space<vmem>>, vector<1x16xf32>,
        %swap3A_67 = arith.index_cast %scan3A_52 : i32 to index
        %swap3A_68 = arith.constant 48 : index
        %swap3A_69 = tpu.vector_load %arg9[%swap3A_67, %swap3A_68] {strides = array<i32>} : memref<64x128xf32, #tpu.memory_space<vmem>>, vector<1x16xf32>,
        %swap3A_70 = vector.shape_cast %swap3A_69 : vector<1x16xf32> to vector<16xf32>
        %swap3A_71 = vector.shape_cast %broadcast_in_dim3A_4 : vector<16xf32> to vector<1x16xf32>
        tpu.vector_store %arg9[%swap3A_67, %swap3A_68], %swap3A_71 {strides = array<i32>} : memref<64x128xf32, #tpu.memory_space<vmem>>, vector<1x16xf32>,
        %swap3A_72 = arith.index_cast %scan3A_52 : i32 to index
        %swap3A_73 = arith.constant 64 : index
        %swap3A_74 = tpu.vector_load %arg9[%swap3A_72, %swap3A_73] {strides = array<i32>} : memref<64x128xf32, #tpu.memory_space<vmem>>, vector<1x16xf32>,
        %swap3A_75 = vector.shape_cast %swap3A_74 : vector<1x16xf32> to vector<16xf32>
        %swap3A_76 = vector.shape_cast %broadcast_in_dim3A_4 : vector<16xf32> to vector<1x16xf32>
        tpu.vector_store %arg9[%swap3A_72, %swap3A_73], %swap3A_76 {strides = array<i32>} : memref<64x128xf32, #tpu.memory_space<vmem>>, vector<1x16xf32>,
        %swap3A_77 = arith.index_cast %scan3A_52 : i32 to index
        %swap3A_78 = arith.constant 80 : index
        %swap3A_79 = tpu.vector_load %arg9[%swap3A_77, %swap3A_78] {strides = array<i32>} : memref<64x128xf32, #tpu.memory_space<vmem>>, vector<1x16xf32>,
        %swap3A_80 = vector.shape_cast %swap3A_79 : vector<1x16xf32> to vector<16xf32>
        %swap3A_81 = vector.shape_cast %broadcast_in_dim3A_4 : vector<16xf32> to vector<1x16xf32>
        tpu.vector_store %arg9[%swap3A_77, %swap3A_78], %swap3A_81 {strides = array<i32>} : memref<64x128xf32, #tpu.memory_space<vmem>>, vector<1x16xf32>,
        %swap3A_82 = arith.index_cast %scan3A_52 : i32 to index
        %swap3A_83 = arith.constant 96 : index
        %swap3A_84 = tpu.vector_load %arg9[%swap3A_82, %swap3A_83] {strides = array<i32>} : memref<64x128xf32, #tpu.memory_space<vmem>>, vector<1x16xf32>,
        %swap3A_85 = vector.shape_cast %swap3A_84 : vector<1x16xf32> to vector<16xf32>
        %swap3A_86 = vector.shape_cast %broadcast_in_dim3A_4 : vector<16xf32> to vector<1x16xf32>
        tpu.vector_store %arg9[%swap3A_82, %swap3A_83], %swap3A_86 {strides = array<i32>} : memref<64x128xf32, #tpu.memory_space<vmem>>, vector<1x16xf32>,
        %swap3A_87 = arith.index_cast %scan3A_52 : i32 to index
        %swap3A_88 = arith.constant 112 : index
        %swap3A_89 = tpu.vector_load %arg9[%swap3A_87, %swap3A_88] {strides = array<i32>} : memref<64x128xf32, #tpu.memory_space<vmem>>, vector<1x16xf32>,
        %swap3A_90 = vector.shape_cast %swap3A_89 : vector<1x16xf32> to vector<16xf32>
        %swap3A_91 = vector.shape_cast %broadcast_in_dim3A_4 : vector<16xf32> to vector<1x16xf32>
        tpu.vector_store %arg9[%swap3A_87, %swap3A_88], %swap3A_91 {strides = array<i32>} : memref<64x128xf32, #tpu.memory_space<vmem>>, vector<1x16xf32>,
      }
      %scan3A_51 = arith.constant 64 : i32
      "tpu.region"() ({
        %run_scoped3A = tpu.sem_alloc : memref<!tpu.dma_semaphore, #tpu.memory_space<semaphore_mem>>
        tpu.enqueue_dma source(%arg9 : memref<64x128xf32, #tpu.memory_space<vmem>>) target(%arg10 : memref<64x128xf32, #tpu.memory_space<vmem_shared>>) target_semaphore(%run_scoped3A : memref<!tpu.dma_semaphore, #tpu.memory_space<semaphore_mem>>)
        tpu.wait_dma2 semaphore(%run_scoped3A : memref<!tpu.dma_semaphore, #tpu.memory_space<semaphore_mem>>) src(%arg9 : memref<64x128xf32, #tpu.memory_space<vmem>>) dst(%arg10 : memref<64x128xf32, #tpu.memory_space<vmem_shared>>)
        tpu.yield
      }) : () -> ()
    } else {
    }
    %scan3A = arith.constant 0 : i32
    %scan3A_17 = arith.constant 0 : i32
    %scan3A_18 = arith.constant 64 : i32
    %scan3A_19 = arith.addi %scan3A_17, %scan3A_18 : i32
    %scan3A_20 = arith.constant 1 : i32
    scf.for %scan3A_46 = %scan3A_17 to %scan3A_19 step %scan3A_20  : i32 {
      %swap3A = arith.index_cast %scan3A_46 : i32 to index
      %swap3A_47 = arith.constant 0 : index
      %swap3A_48 = tpu.vector_load %arg8[%swap3A, %swap3A_47] {strides = array<i32>} : memref<64x16xf32, #tpu.memory_space<vmem>>, vector<1x16xf32>,
      %swap3A_49 = vector.shape_cast %swap3A_48 : vector<1x16xf32> to vector<16xf32>
      %swap3A_50 = vector.shape_cast %broadcast_in_dim3A_4 : vector<16xf32> to vector<1x16xf32>
      tpu.vector_store %arg8[%swap3A, %swap3A_47], %swap3A_50 {strides = array<i32>} : memref<64x16xf32, #tpu.memory_space<vmem>>, vector<1x16xf32>,
    }
    %scan3A_21 = arith.constant 64 : i32
    %jit3A = arith.constant 5 : i32
    %jit3A_22 = arith.constant 20 : i32
    %select_n3A = arith.select %eq3A_3, %jit3A, %jit3A_22 : i32
    %while3A = arith.constant 0 : i32
    %while3A_23 = arith.constant 0 : i32
    %while3A_24 = arith.subi %select_n3A, %while3A_23 : i32
    %while3A_25 = arith.addi %while3A_23, %while3A_24 : i32
    %while3A_26 = arith.constant 1 : i32
    %while3A_27 = arith.divsi %while3A_24, %while3A_26 : i32
    %while3A_28 = arith.muli %while3A_27, %while3A_26 : i32
    %while3A_29 = arith.addi %while3A_23, %while3A_28 : i32
    %while3A_30 = arith.constant 1 : i32
    scf.for %while3A_46 = %while3A_23 to %while3A_29 step %while3A_30  : i32 {
      %jit3A_47 = arith.constant 5 : i32
      %div3A = arith.divsi %while3A_46, %jit3A_47 : i32
      %sign3A = arith.constant 0 : i32
      %sign3A_48 = arith.cmpi sgt, %while3A_46, %sign3A : i32
      %sign3A_49 = arith.extui %sign3A_48 : i1 to i32
      %sign3A_50 = arith.constant 0 : i32
      %sign3A_51 = arith.cmpi slt, %while3A_46, %sign3A_50 : i32
      %sign3A_52 = arith.extui %sign3A_51 : i1 to i32
      %sign3A_53 = arith.subi %sign3A_49, %sign3A_52 : i32
      %sign3A_54 = arith.constant 0 : i32
      %sign3A_55 = arith.cmpi sgt, %jit3A_47, %sign3A_54 : i32
      %sign3A_56 = arith.extui %sign3A_55 : i1 to i32
      %sign3A_57 = arith.constant 0 : i32
      %sign3A_58 = arith.cmpi slt, %jit3A_47, %sign3A_57 : i32
      %sign3A_59 = arith.extui %sign3A_58 : i1 to i32
      %sign3A_60 = arith.subi %sign3A_56, %sign3A_59 : i32
      %ne3A = arith.cmpi ne, %sign3A_53, %sign3A_60 : i32
      %rem3A = arith.remsi %while3A_46, %jit3A_47 : i32
      %ne3A_61 = arith.constant 0 : i32
      %ne3A_62 = arith.cmpi ne, %rem3A, %ne3A_61 : i32
      %and3A = arith.andi %ne3A, %ne3A_62 : i1
      %sub3A = arith.constant 1 : i32
      %sub3A_63 = arith.subi %div3A, %sub3A : i32
      %select_n3A_64 = arith.select %and3A, %sub3A_63, %div3A : i32
      %jit3A_65 = arith.constant 5 : i32
      %eq3A_66 = arith.constant 0 : i32
      %eq3A_67 = arith.cmpi eq, %jit3A_65, %eq3A_66 : i32
      %jit3A_68 = arith.constant 1 : i32
      %select_n3A_69 = arith.select %eq3A_67, %jit3A_68, %jit3A_65 : i32
      %rem3A_70 = arith.remsi %while3A_46, %select_n3A_69 : i32
      %ne3A_71 = arith.constant 0 : i32
      %ne3A_72 = arith.cmpi ne, %rem3A_70, %ne3A_71 : i32
      %lt3A = arith.constant 0 : i32
      %lt3A_73 = arith.cmpi slt, %rem3A_70, %lt3A : i32
      %lt3A_74 = arith.constant 0 : i32
      %lt3A_75 = arith.cmpi slt, %select_n3A_69, %lt3A_74 : i32
      %ne3A_76 = arith.xori %lt3A_73, %lt3A_75 : i1
      %and3A_77 = arith.andi %ne3A_76, %ne3A_72 : i1
      %add3A_78 = arith.addi %rem3A_70, %select_n3A_69 : i32
      %select_n3A_79 = arith.select %and3A_77, %add3A_78, %rem3A_70 : i32
      %mul3A_80 = arith.constant 16 : i32
      %mul3A_81 = arith.muli %select_n3A_79, %mul3A_80 : i32
      %get3A = arith.index_cast %select_n3A_64 : i32 to index
      %get3A_82 = arith.index_cast %mul3A_81 : i32 to index
      %get3A_83 = tpu.vector_load %arg7[%get3A, %get3A_82] {strides = array<i32>} : memref<4x80xi32, #tpu.memory_space<vmem>>, vector<1x16xi32>,
      %get3A_84 = vector.shape_cast %get3A_83 : vector<1x16xi32> to vector<16xi32>
      %slice3A = vector.extract_strided_slice %get3A_84 {offsets = [0], sizes = [1], strides = [1]} : vector<16xi32> to vector<1xi32>
      %squeeze3A = vector.extract %slice3A[0] : i32 from vector<1xi32>
      %swap3A = arith.index_cast %squeeze3A : i32 to index
      %swap3A_85 = arith.constant 0 : index
      %swap3A_86 = tpu.vector_load %arg8[%swap3A, %swap3A_85] {strides = array<i32>} : memref<64x16xf32, #tpu.memory_space<vmem>>, vector<1x16xf32>,
      %swap3A_87 = vector.shape_cast %swap3A_86 : vector<1x16xf32> to vector<16xf32>
      %swap3A_88 = vector.shape_cast %broadcast_in_dim3A_6 : vector<16xf32> to vector<1x16xf32>
      tpu.vector_store %arg8[%swap3A, %swap3A_85], %swap3A_88 {add = true, strides = array<i32>} : memref<64x16xf32, #tpu.memory_space<vmem>>, vector<1x16xf32>,
      %slice3A_89 = vector.extract_strided_slice %get3A_84 {offsets = [1], sizes = [1], strides = [1]} : vector<16xi32> to vector<1xi32>
      %squeeze3A_90 = vector.extract %slice3A_89[0] : i32 from vector<1xi32>
      %swap3A_91 = arith.index_cast %squeeze3A_90 : i32 to index
      %swap3A_92 = arith.constant 0 : index
      %swap3A_93 = tpu.vector_load %arg8[%swap3A_91, %swap3A_92] {strides = array<i32>} : memref<64x16xf32, #tpu.memory_space<vmem>>, vector<1x16xf32>,
      %swap3A_94 = vector.shape_cast %swap3A_93 : vector<1x16xf32> to vector<16xf32>
      %swap3A_95 = vector.shape_cast %broadcast_in_dim3A_6 : vector<16xf32> to vector<1x16xf32>
      tpu.vector_store %arg8[%swap3A_91, %swap3A_92], %swap3A_95 {add = true, strides = array<i32>} : memref<64x16xf32, #tpu.memory_space<vmem>>, vector<1x16xf32>,
      %slice3A_96 = vector.extract_strided_slice %get3A_84 {offsets = [2], sizes = [1], strides = [1]} : vector<16xi32> to vector<1xi32>
      %squeeze3A_97 = vector.extract %slice3A_96[0] : i32 from vector<1xi32>
      %swap3A_98 = arith.index_cast %squeeze3A_97 : i32 to index
      %swap3A_99 = arith.constant 0 : index
      %swap3A_100 = tpu.vector_load %arg8[%swap3A_98, %swap3A_99] {strides = array<i32>} : memref<64x16xf32, #tpu.memory_space<vmem>>, vector<1x16xf32>,
      %swap3A_101 = vector.shape_cast %swap3A_100 : vector<1x16xf32> to vector<16xf32>
      %swap3A_102 = vector.shape_cast %broadcast_in_dim3A_6 : vector<16xf32> to vector<1x16xf32>
      tpu.vector_store %arg8[%swap3A_98, %swap3A_99], %swap3A_102 {add = true, strides = array<i32>} : memref<64x16xf32, #tpu.memory_space<vmem>>, vector<1x16xf32>,
      %slice3A_103 = vector.extract_strided_slice %get3A_84 {offsets = [3], sizes = [1], strides = [1]} : vector<16xi32> to vector<1xi32>
      %squeeze3A_104 = vector.extract %slice3A_103[0] : i32 from vector<1xi32>
      %swap3A_105 = arith.index_cast %squeeze3A_104 : i32 to index
      %swap3A_106 = arith.constant 0 : index
      %swap3A_107 = tpu.vector_load %arg8[%swap3A_105, %swap3A_106] {strides = array<i32>} : memref<64x16xf32, #tpu.memory_space<vmem>>, vector<1x16xf32>,
      %swap3A_108 = vector.shape_cast %swap3A_107 : vector<1x16xf32> to vector<16xf32>
      %swap3A_109 = vector.shape_cast %broadcast_in_dim3A_6 : vector<16xf32> to vector<1x16xf32>
      tpu.vector_store %arg8[%swap3A_105, %swap3A_106], %swap3A_109 {add = true, strides = array<i32>} : memref<64x16xf32, #tpu.memory_space<vmem>>, vector<1x16xf32>,
      %slice3A_110 = vector.extract_strided_slice %get3A_84 {offsets = [4], sizes = [1], strides = [1]} : vector<16xi32> to vector<1xi32>
      %squeeze3A_111 = vector.extract %slice3A_110[0] : i32 from vector<1xi32>
      %swap3A_112 = arith.index_cast %squeeze3A_111 : i32 to index
      %swap3A_113 = arith.constant 0 : index
      %swap3A_114 = tpu.vector_load %arg8[%swap3A_112, %swap3A_113] {strides = array<i32>} : memref<64x16xf32, #tpu.memory_space<vmem>>, vector<1x16xf32>,
      %swap3A_115 = vector.shape_cast %swap3A_114 : vector<1x16xf32> to vector<16xf32>
      %swap3A_116 = vector.shape_cast %broadcast_in_dim3A_6 : vector<16xf32> to vector<1x16xf32>
      tpu.vector_store %arg8[%swap3A_112, %swap3A_113], %swap3A_116 {add = true, strides = array<i32>} : memref<64x16xf32, #tpu.memory_space<vmem>>, vector<1x16xf32>,
      %slice3A_117 = vector.extract_strided_slice %get3A_84 {offsets = [5], sizes = [1], strides = [1]} : vector<16xi32> to vector<1xi32>
      %squeeze3A_118 = vector.extract %slice3A_117[0] : i32 from vector<1xi32>
      %swap3A_119 = arith.index_cast %squeeze3A_118 : i32 to index
      %swap3A_120 = arith.constant 0 : index
      %swap3A_121 = tpu.vector_load %arg8[%swap3A_119, %swap3A_120] {strides = array<i32>} : memref<64x16xf32, #tpu.memory_space<vmem>>, vector<1x16xf32>,
      %swap3A_122 = vector.shape_cast %swap3A_121 : vector<1x16xf32> to vector<16xf32>
      %swap3A_123 = vector.shape_cast %broadcast_in_dim3A_6 : vector<16xf32> to vector<1x16xf32>
      tpu.vector_store %arg8[%swap3A_119, %swap3A_120], %swap3A_123 {add = true, strides = array<i32>} : memref<64x16xf32, #tpu.memory_space<vmem>>, vector<1x16xf32>,
      %slice3A_124 = vector.extract_strided_slice %get3A_84 {offsets = [6], sizes = [1], strides = [1]} : vector<16xi32> to vector<1xi32>
      %squeeze3A_125 = vector.extract %slice3A_124[0] : i32 from vector<1xi32>
      %swap3A_126 = arith.index_cast %squeeze3A_125 : i32 to index
      %swap3A_127 = arith.constant 0 : index
      %swap3A_128 = tpu.vector_load %arg8[%swap3A_126, %swap3A_127] {strides = array<i32>} : memref<64x16xf32, #tpu.memory_space<vmem>>, vector<1x16xf32>,
      %swap3A_129 = vector.shape_cast %swap3A_128 : vector<1x16xf32> to vector<16xf32>
      %swap3A_130 = vector.shape_cast %broadcast_in_dim3A_6 : vector<16xf32> to vector<1x16xf32>
      tpu.vector_store %arg8[%swap3A_126, %swap3A_127], %swap3A_130 {add = true, strides = array<i32>} : memref<64x16xf32, #tpu.memory_space<vmem>>, vector<1x16xf32>,
      %slice3A_131 = vector.extract_strided_slice %get3A_84 {offsets = [7], sizes = [1], strides = [1]} : vector<16xi32> to vector<1xi32>
      %squeeze3A_132 = vector.extract %slice3A_131[0] : i32 from vector<1xi32>
      %swap3A_133 = arith.index_cast %squeeze3A_132 : i32 to index
      %swap3A_134 = arith.constant 0 : index
      %swap3A_135 = tpu.vector_load %arg8[%swap3A_133, %swap3A_134] {strides = array<i32>} : memref<64x16xf32, #tpu.memory_space<vmem>>, vector<1x16xf32>,
      %swap3A_136 = vector.shape_cast %swap3A_135 : vector<1x16xf32> to vector<16xf32>
      %swap3A_137 = vector.shape_cast %broadcast_in_dim3A_6 : vector<16xf32> to vector<1x16xf32>
      tpu.vector_store %arg8[%swap3A_133, %swap3A_134], %swap3A_137 {add = true, strides = array<i32>} : memref<64x16xf32, #tpu.memory_space<vmem>>, vector<1x16xf32>,
      %slice3A_138 = vector.extract_strided_slice %get3A_84 {offsets = [8], sizes = [1], strides = [1]} : vector<16xi32> to vector<1xi32>
      %squeeze3A_139 = vector.extract %slice3A_138[0] : i32 from vector<1xi32>
      %swap3A_140 = arith.index_cast %squeeze3A_139 : i32 to index
      %swap3A_141 = arith.constant 0 : index
      %swap3A_142 = tpu.vector_load %arg8[%swap3A_140, %swap3A_141] {strides = array<i32>} : memref<64x16xf32, #tpu.memory_space<vmem>>, vector<1x16xf32>,
      %swap3A_143 = vector.shape_cast %swap3A_142 : vector<1x16xf32> to vector<16xf32>
      %swap3A_144 = vector.shape_cast %broadcast_in_dim3A_6 : vector<16xf32> to vector<1x16xf32>
      tpu.vector_store %arg8[%swap3A_140, %swap3A_141], %swap3A_144 {add = true, strides = array<i32>} : memref<64x16xf32, #tpu.memory_space<vmem>>, vector<1x16xf32>,
      %slice3A_145 = vector.extract_strided_slice %get3A_84 {offsets = [9], sizes = [1], strides = [1]} : vector<16xi32> to vector<1xi32>
      %squeeze3A_146 = vector.extract %slice3A_145[0] : i32 from vector<1xi32>
      %swap3A_147 = arith.index_cast %squeeze3A_146 : i32 to index
      %swap3A_148 = arith.constant 0 : index
      %swap3A_149 = tpu.vector_load %arg8[%swap3A_147, %swap3A_148] {strides = array<i32>} : memref<64x16xf32, #tpu.memory_space<vmem>>, vector<1x16xf32>,
      %swap3A_150 = vector.shape_cast %swap3A_149 : vector<1x16xf32> to vector<16xf32>
      %swap3A_151 = vector.shape_cast %broadcast_in_dim3A_6 : vector<16xf32> to vector<1x16xf32>
      tpu.vector_store %arg8[%swap3A_147, %swap3A_148], %swap3A_151 {add = true, strides = array<i32>} : memref<64x16xf32, #tpu.memory_space<vmem>>, vector<1x16xf32>,
      %slice3A_152 = vector.extract_strided_slice %get3A_84 {offsets = [10], sizes = [1], strides = [1]} : vector<16xi32> to vector<1xi32>
      %squeeze3A_153 = vector.extract %slice3A_152[0] : i32 from vector<1xi32>
      %swap3A_154 = arith.index_cast %squeeze3A_153 : i32 to index
      %swap3A_155 = arith.constant 0 : index
      %swap3A_156 = tpu.vector_load %arg8[%swap3A_154, %swap3A_155] {strides = array<i32>} : memref<64x16xf32, #tpu.memory_space<vmem>>, vector<1x16xf32>,
      %swap3A_157 = vector.shape_cast %swap3A_156 : vector<1x16xf32> to vector<16xf32>
      %swap3A_158 = vector.shape_cast %broadcast_in_dim3A_6 : vector<16xf32> to vector<1x16xf32>
      tpu.vector_store %arg8[%swap3A_154, %swap3A_155], %swap3A_158 {add = true, strides = array<i32>} : memref<64x16xf32, #tpu.memory_space<vmem>>, vector<1x16xf32>,
      %slice3A_159 = vector.extract_strided_slice %get3A_84 {offsets = [11], sizes = [1], strides = [1]} : vector<16xi32> to vector<1xi32>
      %squeeze3A_160 = vector.extract %slice3A_159[0] : i32 from vector<1xi32>
      %swap3A_161 = arith.index_cast %squeeze3A_160 : i32 to index
      %swap3A_162 = arith.constant 0 : index
      %swap3A_163 = tpu.vector_load %arg8[%swap3A_161, %swap3A_162] {strides = array<i32>} : memref<64x16xf32, #tpu.memory_space<vmem>>, vector<1x16xf32>,
      %swap3A_164 = vector.shape_cast %swap3A_163 : vector<1x16xf32> to vector<16xf32>
      %swap3A_165 = vector.shape_cast %broadcast_in_dim3A_6 : vector<16xf32> to vector<1x16xf32>
      tpu.vector_store %arg8[%swap3A_161, %swap3A_162], %swap3A_165 {add = true, strides = array<i32>} : memref<64x16xf32, #tpu.memory_space<vmem>>, vector<1x16xf32>,
      %slice3A_166 = vector.extract_strided_slice %get3A_84 {offsets = [12], sizes = [1], strides = [1]} : vector<16xi32> to vector<1xi32>
      %squeeze3A_167 = vector.extract %slice3A_166[0] : i32 from vector<1xi32>
      %swap3A_168 = arith.index_cast %squeeze3A_167 : i32 to index
      %swap3A_169 = arith.constant 0 : index
      %swap3A_170 = tpu.vector_load %arg8[%swap3A_168, %swap3A_169] {strides = array<i32>} : memref<64x16xf32, #tpu.memory_space<vmem>>, vector<1x16xf32>,
      %swap3A_171 = vector.shape_cast %swap3A_170 : vector<1x16xf32> to vector<16xf32>
      %swap3A_172 = vector.shape_cast %broadcast_in_dim3A_6 : vector<16xf32> to vector<1x16xf32>
      tpu.vector_store %arg8[%swap3A_168, %swap3A_169], %swap3A_172 {add = true, strides = array<i32>} : memref<64x16xf32, #tpu.memory_space<vmem>>, vector<1x16xf32>,
      %slice3A_173 = vector.extract_strided_slice %get3A_84 {offsets = [13], sizes = [1], strides = [1]} : vector<16xi32> to vector<1xi32>
      %squeeze3A_174 = vector.extract %slice3A_173[0] : i32 from vector<1xi32>
      %swap3A_175 = arith.index_cast %squeeze3A_174 : i32 to index
      %swap3A_176 = arith.constant 0 : index
      %swap3A_177 = tpu.vector_load %arg8[%swap3A_175, %swap3A_176] {strides = array<i32>} : memref<64x16xf32, #tpu.memory_space<vmem>>, vector<1x16xf32>,
      %swap3A_178 = vector.shape_cast %swap3A_177 : vector<1x16xf32> to vector<16xf32>
      %swap3A_179 = vector.shape_cast %broadcast_in_dim3A_6 : vector<16xf32> to vector<1x16xf32>
      tpu.vector_store %arg8[%swap3A_175, %swap3A_176], %swap3A_179 {add = true, strides = array<i32>} : memref<64x16xf32, #tpu.memory_space<vmem>>, vector<1x16xf32>,
      %slice3A_180 = vector.extract_strided_slice %get3A_84 {offsets = [14], sizes = [1], strides = [1]} : vector<16xi32> to vector<1xi32>
      %squeeze3A_181 = vector.extract %slice3A_180[0] : i32 from vector<1xi32>
      %swap3A_182 = arith.index_cast %squeeze3A_181 : i32 to index
      %swap3A_183 = arith.constant 0 : index
      %swap3A_184 = tpu.vector_load %arg8[%swap3A_182, %swap3A_183] {strides = array<i32>} : memref<64x16xf32, #tpu.memory_space<vmem>>, vector<1x16xf32>,
      %swap3A_185 = vector.shape_cast %swap3A_184 : vector<1x16xf32> to vector<16xf32>
      %swap3A_186 = vector.shape_cast %broadcast_in_dim3A_6 : vector<16xf32> to vector<1x16xf32>
      tpu.vector_store %arg8[%swap3A_182, %swap3A_183], %swap3A_186 {add = true, strides = array<i32>} : memref<64x16xf32, #tpu.memory_space<vmem>>, vector<1x16xf32>,
      %slice3A_187 = vector.extract_strided_slice %get3A_84 {offsets = [15], sizes = [1], strides = [1]} : vector<16xi32> to vector<1xi32>
      %squeeze3A_188 = vector.extract %slice3A_187[0] : i32 from vector<1xi32>
      %swap3A_189 = arith.index_cast %squeeze3A_188 : i32 to index
      %swap3A_190 = arith.constant 0 : index
      %swap3A_191 = tpu.vector_load %arg8[%swap3A_189, %swap3A_190] {strides = array<i32>} : memref<64x16xf32, #tpu.memory_space<vmem>>, vector<1x16xf32>,
      %swap3A_192 = vector.shape_cast %swap3A_191 : vector<1x16xf32> to vector<16xf32>
      %swap3A_193 = vector.shape_cast %broadcast_in_dim3A_6 : vector<16xf32> to vector<1x16xf32>
      tpu.vector_store %arg8[%swap3A_189, %swap3A_190], %swap3A_193 {add = true, strides = array<i32>} : memref<64x16xf32, #tpu.memory_space<vmem>>, vector<1x16xf32>,
    }
    %while3A_31 = arith.constant 1 : i32
    scf.for %while3A_46 = %while3A_29 to %while3A_25 step %while3A_31  : i32 {
      %jit3A_47 = arith.constant 5 : i32
      %div3A = arith.divsi %while3A_46, %jit3A_47 : i32
      %sign3A = arith.constant 0 : i32
      %sign3A_48 = arith.cmpi sgt, %while3A_46, %sign3A : i32
      %sign3A_49 = arith.extui %sign3A_48 : i1 to i32
      %sign3A_50 = arith.constant 0 : i32
      %sign3A_51 = arith.cmpi slt, %while3A_46, %sign3A_50 : i32
      %sign3A_52 = arith.extui %sign3A_51 : i1 to i32
      %sign3A_53 = arith.subi %sign3A_49, %sign3A_52 : i32
      %sign3A_54 = arith.constant 0 : i32
      %sign3A_55 = arith.cmpi sgt, %jit3A_47, %sign3A_54 : i32
      %sign3A_56 = arith.extui %sign3A_55 : i1 to i32
      %sign3A_57 = arith.constant 0 : i32
      %sign3A_58 = arith.cmpi slt, %jit3A_47, %sign3A_57 : i32
      %sign3A_59 = arith.extui %sign3A_58 : i1 to i32
      %sign3A_60 = arith.subi %sign3A_56, %sign3A_59 : i32
      %ne3A = arith.cmpi ne, %sign3A_53, %sign3A_60 : i32
      %rem3A = arith.remsi %while3A_46, %jit3A_47 : i32
      %ne3A_61 = arith.constant 0 : i32
      %ne3A_62 = arith.cmpi ne, %rem3A, %ne3A_61 : i32
      %and3A = arith.andi %ne3A, %ne3A_62 : i1
      %sub3A = arith.constant 1 : i32
      %sub3A_63 = arith.subi %div3A, %sub3A : i32
      %select_n3A_64 = arith.select %and3A, %sub3A_63, %div3A : i32
      %jit3A_65 = arith.constant 5 : i32
      %eq3A_66 = arith.constant 0 : i32
      %eq3A_67 = arith.cmpi eq, %jit3A_65, %eq3A_66 : i32
      %jit3A_68 = arith.constant 1 : i32
      %select_n3A_69 = arith.select %eq3A_67, %jit3A_68, %jit3A_65 : i32
      %rem3A_70 = arith.remsi %while3A_46, %select_n3A_69 : i32
      %ne3A_71 = arith.constant 0 : i32
      %ne3A_72 = arith.cmpi ne, %rem3A_70, %ne3A_71 : i32
      %lt3A = arith.constant 0 : i32
      %lt3A_73 = arith.cmpi slt, %rem3A_70, %lt3A : i32
      %lt3A_74 = arith.constant 0 : i32
      %lt3A_75 = arith.cmpi slt, %select_n3A_69, %lt3A_74 : i32
      %ne3A_76 = arith.xori %lt3A_73, %lt3A_75 : i1
      %and3A_77 = arith.andi %ne3A_76, %ne3A_72 : i1
      %add3A_78 = arith.addi %rem3A_70, %select_n3A_69 : i32
      %select_n3A_79 = arith.select %and3A_77, %add3A_78, %rem3A_70 : i32
      %mul3A_80 = arith.constant 16 : i32
      %mul3A_81 = arith.muli %select_n3A_79, %mul3A_80 : i32
      %get3A = arith.index_cast %select_n3A_64 : i32 to index
      %get3A_82 = arith.index_cast %mul3A_81 : i32 to index
      %get3A_83 = tpu.vector_load %arg7[%get3A, %get3A_82] {strides = array<i32>} : memref<4x80xi32, #tpu.memory_space<vmem>>, vector<1x16xi32>,
      %get3A_84 = vector.shape_cast %get3A_83 : vector<1x16xi32> to vector<16xi32>
      %slice3A = vector.extract_strided_slice %get3A_84 {offsets = [0], sizes = [1], strides = [1]} : vector<16xi32> to vector<1xi32>
      %squeeze3A = vector.extract %slice3A[0] : i32 from vector<1xi32>
      %swap3A = arith.index_cast %squeeze3A : i32 to index
      %swap3A_85 = arith.constant 0 : index
      %swap3A_86 = tpu.vector_load %arg8[%swap3A, %swap3A_85] {strides = array<i32>} : memref<64x16xf32, #tpu.memory_space<vmem>>, vector<1x16xf32>,
      %swap3A_87 = vector.shape_cast %swap3A_86 : vector<1x16xf32> to vector<16xf32>
      %swap3A_88 = vector.shape_cast %broadcast_in_dim3A_6 : vector<16xf32> to vector<1x16xf32>
      tpu.vector_store %arg8[%swap3A, %swap3A_85], %swap3A_88 {add = true, strides = array<i32>} : memref<64x16xf32, #tpu.memory_space<vmem>>, vector<1x16xf32>,
      %slice3A_89 = vector.extract_strided_slice %get3A_84 {offsets = [1], sizes = [1], strides = [1]} : vector<16xi32> to vector<1xi32>
      %squeeze3A_90 = vector.extract %slice3A_89[0] : i32 from vector<1xi32>
      %swap3A_91 = arith.index_cast %squeeze3A_90 : i32 to index
      %swap3A_92 = arith.constant 0 : index
      %swap3A_93 = tpu.vector_load %arg8[%swap3A_91, %swap3A_92] {strides = array<i32>} : memref<64x16xf32, #tpu.memory_space<vmem>>, vector<1x16xf32>,
      %swap3A_94 = vector.shape_cast %swap3A_93 : vector<1x16xf32> to vector<16xf32>
      %swap3A_95 = vector.shape_cast %broadcast_in_dim3A_6 : vector<16xf32> to vector<1x16xf32>
      tpu.vector_store %arg8[%swap3A_91, %swap3A_92], %swap3A_95 {add = true, strides = array<i32>} : memref<64x16xf32, #tpu.memory_space<vmem>>, vector<1x16xf32>,
      %slice3A_96 = vector.extract_strided_slice %get3A_84 {offsets = [2], sizes = [1], strides = [1]} : vector<16xi32> to vector<1xi32>
      %squeeze3A_97 = vector.extract %slice3A_96[0] : i32 from vector<1xi32>
      %swap3A_98 = arith.index_cast %squeeze3A_97 : i32 to index
      %swap3A_99 = arith.constant 0 : index
      %swap3A_100 = tpu.vector_load %arg8[%swap3A_98, %swap3A_99] {strides = array<i32>} : memref<64x16xf32, #tpu.memory_space<vmem>>, vector<1x16xf32>,
      %swap3A_101 = vector.shape_cast %swap3A_100 : vector<1x16xf32> to vector<16xf32>
      %swap3A_102 = vector.shape_cast %broadcast_in_dim3A_6 : vector<16xf32> to vector<1x16xf32>
      tpu.vector_store %arg8[%swap3A_98, %swap3A_99], %swap3A_102 {add = true, strides = array<i32>} : memref<64x16xf32, #tpu.memory_space<vmem>>, vector<1x16xf32>,
      %slice3A_103 = vector.extract_strided_slice %get3A_84 {offsets = [3], sizes = [1], strides = [1]} : vector<16xi32> to vector<1xi32>
      %squeeze3A_104 = vector.extract %slice3A_103[0] : i32 from vector<1xi32>
      %swap3A_105 = arith.index_cast %squeeze3A_104 : i32 to index
      %swap3A_106 = arith.constant 0 : index
      %swap3A_107 = tpu.vector_load %arg8[%swap3A_105, %swap3A_106] {strides = array<i32>} : memref<64x16xf32, #tpu.memory_space<vmem>>, vector<1x16xf32>,
      %swap3A_108 = vector.shape_cast %swap3A_107 : vector<1x16xf32> to vector<16xf32>
      %swap3A_109 = vector.shape_cast %broadcast_in_dim3A_6 : vector<16xf32> to vector<1x16xf32>
      tpu.vector_store %arg8[%swap3A_105, %swap3A_106], %swap3A_109 {add = true, strides = array<i32>} : memref<64x16xf32, #tpu.memory_space<vmem>>, vector<1x16xf32>,
      %slice3A_110 = vector.extract_strided_slice %get3A_84 {offsets = [4], sizes = [1], strides = [1]} : vector<16xi32> to vector<1xi32>
      %squeeze3A_111 = vector.extract %slice3A_110[0] : i32 from vector<1xi32>
      %swap3A_112 = arith.index_cast %squeeze3A_111 : i32 to index
      %swap3A_113 = arith.constant 0 : index
      %swap3A_114 = tpu.vector_load %arg8[%swap3A_112, %swap3A_113] {strides = array<i32>} : memref<64x16xf32, #tpu.memory_space<vmem>>, vector<1x16xf32>,
      %swap3A_115 = vector.shape_cast %swap3A_114 : vector<1x16xf32> to vector<16xf32>
      %swap3A_116 = vector.shape_cast %broadcast_in_dim3A_6 : vector<16xf32> to vector<1x16xf32>
      tpu.vector_store %arg8[%swap3A_112, %swap3A_113], %swap3A_116 {add = true, strides = array<i32>} : memref<64x16xf32, #tpu.memory_space<vmem>>, vector<1x16xf32>,
      %slice3A_117 = vector.extract_strided_slice %get3A_84 {offsets = [5], sizes = [1], strides = [1]} : vector<16xi32> to vector<1xi32>
      %squeeze3A_118 = vector.extract %slice3A_117[0] : i32 from vector<1xi32>
      %swap3A_119 = arith.index_cast %squeeze3A_118 : i32 to index
      %swap3A_120 = arith.constant 0 : index
      %swap3A_121 = tpu.vector_load %arg8[%swap3A_119, %swap3A_120] {strides = array<i32>} : memref<64x16xf32, #tpu.memory_space<vmem>>, vector<1x16xf32>,
      %swap3A_122 = vector.shape_cast %swap3A_121 : vector<1x16xf32> to vector<16xf32>
      %swap3A_123 = vector.shape_cast %broadcast_in_dim3A_6 : vector<16xf32> to vector<1x16xf32>
      tpu.vector_store %arg8[%swap3A_119, %swap3A_120], %swap3A_123 {add = true, strides = array<i32>} : memref<64x16xf32, #tpu.memory_space<vmem>>, vector<1x16xf32>,
      %slice3A_124 = vector.extract_strided_slice %get3A_84 {offsets = [6], sizes = [1], strides = [1]} : vector<16xi32> to vector<1xi32>
      %squeeze3A_125 = vector.extract %slice3A_124[0] : i32 from vector<1xi32>
      %swap3A_126 = arith.index_cast %squeeze3A_125 : i32 to index
      %swap3A_127 = arith.constant 0 : index
      %swap3A_128 = tpu.vector_load %arg8[%swap3A_126, %swap3A_127] {strides = array<i32>} : memref<64x16xf32, #tpu.memory_space<vmem>>, vector<1x16xf32>,
      %swap3A_129 = vector.shape_cast %swap3A_128 : vector<1x16xf32> to vector<16xf32>
      %swap3A_130 = vector.shape_cast %broadcast_in_dim3A_6 : vector<16xf32> to vector<1x16xf32>
      tpu.vector_store %arg8[%swap3A_126, %swap3A_127], %swap3A_130 {add = true, strides = array<i32>} : memref<64x16xf32, #tpu.memory_space<vmem>>, vector<1x16xf32>,
      %slice3A_131 = vector.extract_strided_slice %get3A_84 {offsets = [7], sizes = [1], strides = [1]} : vector<16xi32> to vector<1xi32>
      %squeeze3A_132 = vector.extract %slice3A_131[0] : i32 from vector<1xi32>
      %swap3A_133 = arith.index_cast %squeeze3A_132 : i32 to index
      %swap3A_134 = arith.constant 0 : index
      %swap3A_135 = tpu.vector_load %arg8[%swap3A_133, %swap3A_134] {strides = array<i32>} : memref<64x16xf32, #tpu.memory_space<vmem>>, vector<1x16xf32>,
      %swap3A_136 = vector.shape_cast %swap3A_135 : vector<1x16xf32> to vector<16xf32>
      %swap3A_137 = vector.shape_cast %broadcast_in_dim3A_6 : vector<16xf32> to vector<1x16xf32>
      tpu.vector_store %arg8[%swap3A_133, %swap3A_134], %swap3A_137 {add = true, strides = array<i32>} : memref<64x16xf32, #tpu.memory_space<vmem>>, vector<1x16xf32>,
      %slice3A_138 = vector.extract_strided_slice %get3A_84 {offsets = [8], sizes = [1], strides = [1]} : vector<16xi32> to vector<1xi32>
      %squeeze3A_139 = vector.extract %slice3A_138[0] : i32 from vector<1xi32>
      %swap3A_140 = arith.index_cast %squeeze3A_139 : i32 to index
      %swap3A_141 = arith.constant 0 : index
      %swap3A_142 = tpu.vector_load %arg8[%swap3A_140, %swap3A_141] {strides = array<i32>} : memref<64x16xf32, #tpu.memory_space<vmem>>, vector<1x16xf32>,
      %swap3A_143 = vector.shape_cast %swap3A_142 : vector<1x16xf32> to vector<16xf32>
      %swap3A_144 = vector.shape_cast %broadcast_in_dim3A_6 : vector<16xf32> to vector<1x16xf32>
      tpu.vector_store %arg8[%swap3A_140, %swap3A_141], %swap3A_144 {add = true, strides = array<i32>} : memref<64x16xf32, #tpu.memory_space<vmem>>, vector<1x16xf32>,
      %slice3A_145 = vector.extract_strided_slice %get3A_84 {offsets = [9], sizes = [1], strides = [1]} : vector<16xi32> to vector<1xi32>
      %squeeze3A_146 = vector.extract %slice3A_145[0] : i32 from vector<1xi32>
      %swap3A_147 = arith.index_cast %squeeze3A_146 : i32 to index
      %swap3A_148 = arith.constant 0 : index
      %swap3A_149 = tpu.vector_load %arg8[%swap3A_147, %swap3A_148] {strides = array<i32>} : memref<64x16xf32, #tpu.memory_space<vmem>>, vector<1x16xf32>,
      %swap3A_150 = vector.shape_cast %swap3A_149 : vector<1x16xf32> to vector<16xf32>
      %swap3A_151 = vector.shape_cast %broadcast_in_dim3A_6 : vector<16xf32> to vector<1x16xf32>
      tpu.vector_store %arg8[%swap3A_147, %swap3A_148], %swap3A_151 {add = true, strides = array<i32>} : memref<64x16xf32, #tpu.memory_space<vmem>>, vector<1x16xf32>,
      %slice3A_152 = vector.extract_strided_slice %get3A_84 {offsets = [10], sizes = [1], strides = [1]} : vector<16xi32> to vector<1xi32>
      %squeeze3A_153 = vector.extract %slice3A_152[0] : i32 from vector<1xi32>
      %swap3A_154 = arith.index_cast %squeeze3A_153 : i32 to index
      %swap3A_155 = arith.constant 0 : index
      %swap3A_156 = tpu.vector_load %arg8[%swap3A_154, %swap3A_155] {strides = array<i32>} : memref<64x16xf32, #tpu.memory_space<vmem>>, vector<1x16xf32>,
      %swap3A_157 = vector.shape_cast %swap3A_156 : vector<1x16xf32> to vector<16xf32>
      %swap3A_158 = vector.shape_cast %broadcast_in_dim3A_6 : vector<16xf32> to vector<1x16xf32>
      tpu.vector_store %arg8[%swap3A_154, %swap3A_155], %swap3A_158 {add = true, strides = array<i32>} : memref<64x16xf32, #tpu.memory_space<vmem>>, vector<1x16xf32>,
      %slice3A_159 = vector.extract_strided_slice %get3A_84 {offsets = [11], sizes = [1], strides = [1]} : vector<16xi32> to vector<1xi32>
      %squeeze3A_160 = vector.extract %slice3A_159[0] : i32 from vector<1xi32>
      %swap3A_161 = arith.index_cast %squeeze3A_160 : i32 to index
      %swap3A_162 = arith.constant 0 : index
      %swap3A_163 = tpu.vector_load %arg8[%swap3A_161, %swap3A_162] {strides = array<i32>} : memref<64x16xf32, #tpu.memory_space<vmem>>, vector<1x16xf32>,
      %swap3A_164 = vector.shape_cast %swap3A_163 : vector<1x16xf32> to vector<16xf32>
      %swap3A_165 = vector.shape_cast %broadcast_in_dim3A_6 : vector<16xf32> to vector<1x16xf32>
      tpu.vector_store %arg8[%swap3A_161, %swap3A_162], %swap3A_165 {add = true, strides = array<i32>} : memref<64x16xf32, #tpu.memory_space<vmem>>, vector<1x16xf32>,
      %slice3A_166 = vector.extract_strided_slice %get3A_84 {offsets = [12], sizes = [1], strides = [1]} : vector<16xi32> to vector<1xi32>
      %squeeze3A_167 = vector.extract %slice3A_166[0] : i32 from vector<1xi32>
      %swap3A_168 = arith.index_cast %squeeze3A_167 : i32 to index
      %swap3A_169 = arith.constant 0 : index
      %swap3A_170 = tpu.vector_load %arg8[%swap3A_168, %swap3A_169] {strides = array<i32>} : memref<64x16xf32, #tpu.memory_space<vmem>>, vector<1x16xf32>,
      %swap3A_171 = vector.shape_cast %swap3A_170 : vector<1x16xf32> to vector<16xf32>
      %swap3A_172 = vector.shape_cast %broadcast_in_dim3A_6 : vector<16xf32> to vector<1x16xf32>
      tpu.vector_store %arg8[%swap3A_168, %swap3A_169], %swap3A_172 {add = true, strides = array<i32>} : memref<64x16xf32, #tpu.memory_space<vmem>>, vector<1x16xf32>,
      %slice3A_173 = vector.extract_strided_slice %get3A_84 {offsets = [13], sizes = [1], strides = [1]} : vector<16xi32> to vector<1xi32>
      %squeeze3A_174 = vector.extract %slice3A_173[0] : i32 from vector<1xi32>
      %swap3A_175 = arith.index_cast %squeeze3A_174 : i32 to index
      %swap3A_176 = arith.constant 0 : index
      %swap3A_177 = tpu.vector_load %arg8[%swap3A_175, %swap3A_176] {strides = array<i32>} : memref<64x16xf32, #tpu.memory_space<vmem>>, vector<1x16xf32>,
      %swap3A_178 = vector.shape_cast %swap3A_177 : vector<1x16xf32> to vector<16xf32>
      %swap3A_179 = vector.shape_cast %broadcast_in_dim3A_6 : vector<16xf32> to vector<1x16xf32>
      tpu.vector_store %arg8[%swap3A_175, %swap3A_176], %swap3A_179 {add = true, strides = array<i32>} : memref<64x16xf32, #tpu.memory_space<vmem>>, vector<1x16xf32>,
      %slice3A_180 = vector.extract_strided_slice %get3A_84 {offsets = [14], sizes = [1], strides = [1]} : vector<16xi32> to vector<1xi32>
      %squeeze3A_181 = vector.extract %slice3A_180[0] : i32 from vector<1xi32>
      %swap3A_182 = arith.index_cast %squeeze3A_181 : i32 to index
      %swap3A_183 = arith.constant 0 : index
      %swap3A_184 = tpu.vector_load %arg8[%swap3A_182, %swap3A_183] {strides = array<i32>} : memref<64x16xf32, #tpu.memory_space<vmem>>, vector<1x16xf32>,
      %swap3A_185 = vector.shape_cast %swap3A_184 : vector<1x16xf32> to vector<16xf32>
      %swap3A_186 = vector.shape_cast %broadcast_in_dim3A_6 : vector<16xf32> to vector<1x16xf32>
      tpu.vector_store %arg8[%swap3A_182, %swap3A_183], %swap3A_186 {add = true, strides = array<i32>} : memref<64x16xf32, #tpu.memory_space<vmem>>, vector<1x16xf32>,
      %slice3A_187 = vector.extract_strided_slice %get3A_84 {offsets = [15], sizes = [1], strides = [1]} : vector<16xi32> to vector<1xi32>
      %squeeze3A_188 = vector.extract %slice3A_187[0] : i32 from vector<1xi32>
      %swap3A_189 = arith.index_cast %squeeze3A_188 : i32 to index
      %swap3A_190 = arith.constant 0 : index
      %swap3A_191 = tpu.vector_load %arg8[%swap3A_189, %swap3A_190] {strides = array<i32>} : memref<64x16xf32, #tpu.memory_space<vmem>>, vector<1x16xf32>,
      %swap3A_192 = vector.shape_cast %swap3A_191 : vector<1x16xf32> to vector<16xf32>
      %swap3A_193 = vector.shape_cast %broadcast_in_dim3A_6 : vector<16xf32> to vector<1x16xf32>
      tpu.vector_store %arg8[%swap3A_189, %swap3A_190], %swap3A_193 {add = true, strides = array<i32>} : memref<64x16xf32, #tpu.memory_space<vmem>>, vector<1x16xf32>,
    }
    %barrier3A = arith.constant 0 : index
    tpu.barrier barrier_id(%barrier3A)
    %not3A_32 = arith.constant true
    %not3A_33 = arith.xori %eq3A_3, %not3A_32 : i1
    %convert_element_type3A_34 = arith.extui %not3A_33 : i1 to i32
    %cond3A_35 = arith.constant 0 : i32
    %cond3A_36 = arith.cmpi ne, %convert_element_type3A_34, %cond3A_35 : i32
    scf.if %cond3A_36 {
      %add3A_46 = arith.constant 0 : i32
      %add3A_47 = arith.addi %mul3A_2, %add3A_46 : i32
      %dma_wait3A = arith.constant 0 : i32
      %dma_wait3A_48 = arith.constant 0 : i32
      %dma_wait3A_49 = tpu.memref_slice %arg6[%dma_wait3A, %dma_wait3A_48] : memref<320x128xf32, #tpu.memory_space<vmem>> -> memref<80x128xf32, #tpu.memory_space<vmem>>
      %dma_wait3A_50 = arith.constant 0 : i32
      %dma_wait3A_51 = tpu.memref_slice %arg2[%add3A_47, %dma_wait3A_50] : memref<10000x128xf32, #tpu.memory_space<hbm>> -> memref<80x128xf32, #tpu.memory_space<hbm>>
      %dma_wait3A_52 = arith.constant 0 : i32
      %dma_wait3A_53 = arith.constant 0 : i32
      %dma_wait3A_54 = tpu.memref_slice %arg6[%dma_wait3A_52, %dma_wait3A_53] : memref<320x128xf32, #tpu.memory_space<vmem>> -> memref<80x128xf32, #tpu.memory_space<vmem>>
      %dma_wait3A_55 = arith.constant 0 : i32
      %dma_wait3A_56 = tpu.memref_slice %arg2[%add3A_47, %dma_wait3A_55] : memref<10000x128xf32, #tpu.memory_space<hbm>> -> memref<80x128xf32, #tpu.memory_space<hbm>>
      tpu.wait_dma2 semaphore(%arg12 : memref<!tpu.dma_semaphore, #tpu.memory_space<semaphore_mem>>) src(%dma_wait3A_56 : memref<80x128xf32, #tpu.memory_space<hbm>>) dst(%dma_wait3A_54 : memref<80x128xf32, #tpu.memory_space<vmem>>)
      %add3A_57 = arith.constant 80 : i32
      %add3A_58 = arith.addi %mul3A_2, %add3A_57 : i32
      %dma_wait3A_59 = arith.constant 80 : i32
      %dma_wait3A_60 = arith.constant 0 : i32
      %dma_wait3A_61 = tpu.memref_slice %arg6[%dma_wait3A_59, %dma_wait3A_60] : memref<320x128xf32, #tpu.memory_space<vmem>> -> memref<80x128xf32, #tpu.memory_space<vmem>>
      %dma_wait3A_62 = arith.constant 0 : i32
      %dma_wait3A_63 = tpu.memref_slice %arg2[%add3A_58, %dma_wait3A_62] : memref<10000x128xf32, #tpu.memory_space<hbm>> -> memref<80x128xf32, #tpu.memory_space<hbm>>
      %dma_wait3A_64 = arith.constant 80 : i32
      %dma_wait3A_65 = arith.constant 0 : i32
      %dma_wait3A_66 = tpu.memref_slice %arg6[%dma_wait3A_64, %dma_wait3A_65] : memref<320x128xf32, #tpu.memory_space<vmem>> -> memref<80x128xf32, #tpu.memory_space<vmem>>
      %dma_wait3A_67 = arith.constant 0 : i32
      %dma_wait3A_68 = tpu.memref_slice %arg2[%add3A_58, %dma_wait3A_67] : memref<10000x128xf32, #tpu.memory_space<hbm>> -> memref<80x128xf32, #tpu.memory_space<hbm>>
      tpu.wait_dma2 semaphore(%arg12 : memref<!tpu.dma_semaphore, #tpu.memory_space<semaphore_mem>>) src(%dma_wait3A_68 : memref<80x128xf32, #tpu.memory_space<hbm>>) dst(%dma_wait3A_66 : memref<80x128xf32, #tpu.memory_space<vmem>>)
      %add3A_69 = arith.constant 160 : i32
      %add3A_70 = arith.addi %mul3A_2, %add3A_69 : i32
      %dma_wait3A_71 = arith.constant 160 : i32
      %dma_wait3A_72 = arith.constant 0 : i32
      %dma_wait3A_73 = tpu.memref_slice %arg6[%dma_wait3A_71, %dma_wait3A_72] : memref<320x128xf32, #tpu.memory_space<vmem>> -> memref<80x128xf32, #tpu.memory_space<vmem>>
      %dma_wait3A_74 = arith.constant 0 : i32
      %dma_wait3A_75 = tpu.memref_slice %arg2[%add3A_70, %dma_wait3A_74] : memref<10000x128xf32, #tpu.memory_space<hbm>> -> memref<80x128xf32, #tpu.memory_space<hbm>>
      %dma_wait3A_76 = arith.constant 160 : i32
      %dma_wait3A_77 = arith.constant 0 : i32
      %dma_wait3A_78 = tpu.memref_slice %arg6[%dma_wait3A_76, %dma_wait3A_77] : memref<320x128xf32, #tpu.memory_space<vmem>> -> memref<80x128xf32, #tpu.memory_space<vmem>>
      %dma_wait3A_79 = arith.constant 0 : i32
      %dma_wait3A_80 = tpu.memref_slice %arg2[%add3A_70, %dma_wait3A_79] : memref<10000x128xf32, #tpu.memory_space<hbm>> -> memref<80x128xf32, #tpu.memory_space<hbm>>
      tpu.wait_dma2 semaphore(%arg12 : memref<!tpu.dma_semaphore, #tpu.memory_space<semaphore_mem>>) src(%dma_wait3A_80 : memref<80x128xf32, #tpu.memory_space<hbm>>) dst(%dma_wait3A_78 : memref<80x128xf32, #tpu.memory_space<vmem>>)
      %add3A_81 = arith.constant 240 : i32
      %add3A_82 = arith.addi %mul3A_2, %add3A_81 : i32
      %dma_wait3A_83 = arith.constant 240 : i32
      %dma_wait3A_84 = arith.constant 0 : i32
      %dma_wait3A_85 = tpu.memref_slice %arg6[%dma_wait3A_83, %dma_wait3A_84] : memref<320x128xf32, #tpu.memory_space<vmem>> -> memref<80x128xf32, #tpu.memory_space<vmem>>
      %dma_wait3A_86 = arith.constant 0 : i32
      %dma_wait3A_87 = tpu.memref_slice %arg2[%add3A_82, %dma_wait3A_86] : memref<10000x128xf32, #tpu.memory_space<hbm>> -> memref<80x128xf32, #tpu.memory_space<hbm>>
      %dma_wait3A_88 = arith.constant 240 : i32
      %dma_wait3A_89 = arith.constant 0 : i32
      %dma_wait3A_90 = tpu.memref_slice %arg6[%dma_wait3A_88, %dma_wait3A_89] : memref<320x128xf32, #tpu.memory_space<vmem>> -> memref<80x128xf32, #tpu.memory_space<vmem>>
      %dma_wait3A_91 = arith.constant 0 : i32
      %dma_wait3A_92 = tpu.memref_slice %arg2[%add3A_82, %dma_wait3A_91] : memref<10000x128xf32, #tpu.memory_space<hbm>> -> memref<80x128xf32, #tpu.memory_space<hbm>>
      tpu.wait_dma2 semaphore(%arg12 : memref<!tpu.dma_semaphore, #tpu.memory_space<semaphore_mem>>) src(%dma_wait3A_92 : memref<80x128xf32, #tpu.memory_space<hbm>>) dst(%dma_wait3A_90 : memref<80x128xf32, #tpu.memory_space<vmem>>)
      %dma_start3A = arith.constant 0 : i32
      %dma_start3A_93 = arith.constant 0 : i32
      %dma_start3A_94 = arith.constant 0 : i32
      %dma_start3A_95 = tpu.memref_slice %arg6[%dma_start3A_93, %dma_start3A_94] : memref<320x128xf32, #tpu.memory_space<vmem>> -> memref<80x128xf32, #tpu.memory_space<vmem>>
      %dma_start3A_96 = arith.constant 0 : i32
      %dma_start3A_97 = tpu.memref_slice %arg7[%dma_start3A, %dma_start3A_96] : memref<4x80xi32, #tpu.memory_space<vmem>> -> memref<1x80xi32, #tpu.memory_space<vmem>>
      %dma_start3A_98 = tpu.memref_squeeze %dma_start3A_97 : memref<1x80xi32, #tpu.memory_space<vmem>> -> memref<80xi32, #tpu.memory_space<vmem>>
      %dma_start3A_99 = arith.constant 0 : i32
      %dma_start3A_100 = arith.constant 0 : i32
      %dma_start3A_101 = tpu.memref_slice %arg10[%dma_start3A_99, %dma_start3A_100] : memref<64x128xf32, #tpu.memory_space<vmem_shared>> -> memref<64x128xf32, #tpu.memory_space<vmem_shared>>
      tpu.enqueue_indirect_dma source(%dma_start3A_95 : memref<80x128xf32, #tpu.memory_space<vmem>>) target(%dma_start3A_101 : memref<64x128xf32, #tpu.memory_space<vmem_shared>>) offsets(%dma_start3A_98 : memref<80xi32, #tpu.memory_space<vmem>>) semaphore(%arg11 : memref<!tpu.dma_semaphore, #tpu.memory_space<semaphore_mem>>) {add = true}
      %dma_start3A_102 = arith.constant 1 : i32
      %dma_start3A_103 = arith.constant 80 : i32
      %dma_start3A_104 = arith.constant 0 : i32
      %dma_start3A_105 = tpu.memref_slice %arg6[%dma_start3A_103, %dma_start3A_104] : memref<320x128xf32, #tpu.memory_space<vmem>> -> memref<80x128xf32, #tpu.memory_space<vmem>>
      %dma_start3A_106 = arith.constant 0 : i32
      %dma_start3A_107 = tpu.memref_slice %arg7[%dma_start3A_102, %dma_start3A_106] : memref<4x80xi32, #tpu.memory_space<vmem>> -> memref<1x80xi32, #tpu.memory_space<vmem>>
      %dma_start3A_108 = tpu.memref_squeeze %dma_start3A_107 : memref<1x80xi32, #tpu.memory_space<vmem>> -> memref<80xi32, #tpu.memory_space<vmem>>
      %dma_start3A_109 = arith.constant 0 : i32
      %dma_start3A_110 = arith.constant 0 : i32
      %dma_start3A_111 = tpu.memref_slice %arg10[%dma_start3A_109, %dma_start3A_110] : memref<64x128xf32, #tpu.memory_space<vmem_shared>> -> memref<64x128xf32, #tpu.memory_space<vmem_shared>>
      tpu.enqueue_indirect_dma source(%dma_start3A_105 : memref<80x128xf32, #tpu.memory_space<vmem>>) target(%dma_start3A_111 : memref<64x128xf32, #tpu.memory_space<vmem_shared>>) offsets(%dma_start3A_108 : memref<80xi32, #tpu.memory_space<vmem>>) semaphore(%arg11 : memref<!tpu.dma_semaphore, #tpu.memory_space<semaphore_mem>>) {add = true}
      %dma_start3A_112 = arith.constant 2 : i32
      %dma_start3A_113 = arith.constant 160 : i32
      %dma_start3A_114 = arith.constant 0 : i32
      %dma_start3A_115 = tpu.memref_slice %arg6[%dma_start3A_113, %dma_start3A_114] : memref<320x128xf32, #tpu.memory_space<vmem>> -> memref<80x128xf32, #tpu.memory_space<vmem>>
      %dma_start3A_116 = arith.constant 0 : i32
      %dma_start3A_117 = tpu.memref_slice %arg7[%dma_start3A_112, %dma_start3A_116] : memref<4x80xi32, #tpu.memory_space<vmem>> -> memref<1x80xi32, #tpu.memory_space<vmem>>
      %dma_start3A_118 = tpu.memref_squeeze %dma_start3A_117 : memref<1x80xi32, #tpu.memory_space<vmem>> -> memref<80xi32, #tpu.memory_space<vmem>>
      %dma_start3A_119 = arith.constant 0 : i32
      %dma_start3A_120 = arith.constant 0 : i32
      %dma_start3A_121 = tpu.memref_slice %arg10[%dma_start3A_119, %dma_start3A_120] : memref<64x128xf32, #tpu.memory_space<vmem_shared>> -> memref<64x128xf32, #tpu.memory_space<vmem_shared>>
      tpu.enqueue_indirect_dma source(%dma_start3A_115 : memref<80x128xf32, #tpu.memory_space<vmem>>) target(%dma_start3A_121 : memref<64x128xf32, #tpu.memory_space<vmem_shared>>) offsets(%dma_start3A_118 : memref<80xi32, #tpu.memory_space<vmem>>) semaphore(%arg11 : memref<!tpu.dma_semaphore, #tpu.memory_space<semaphore_mem>>) {add = true}
      %dma_start3A_122 = arith.constant 3 : i32
      %dma_start3A_123 = arith.constant 240 : i32
      %dma_start3A_124 = arith.constant 0 : i32
      %dma_start3A_125 = tpu.memref_slice %arg6[%dma_start3A_123, %dma_start3A_124] : memref<320x128xf32, #tpu.memory_space<vmem>> -> memref<80x128xf32, #tpu.memory_space<vmem>>
      %dma_start3A_126 = arith.constant 0 : i32
      %dma_start3A_127 = tpu.memref_slice %arg7[%dma_start3A_122, %dma_start3A_126] : memref<4x80xi32, #tpu.memory_space<vmem>> -> memref<1x80xi32, #tpu.memory_space<vmem>>
      %dma_start3A_128 = tpu.memref_squeeze %dma_start3A_127 : memref<1x80xi32, #tpu.memory_space<vmem>> -> memref<80xi32, #tpu.memory_space<vmem>>
      %dma_start3A_129 = arith.constant 0 : i32
      %dma_start3A_130 = arith.constant 0 : i32
      %dma_start3A_131 = tpu.memref_slice %arg10[%dma_start3A_129, %dma_start3A_130] : memref<64x128xf32, #tpu.memory_space<vmem_shared>> -> memref<64x128xf32, #tpu.memory_space<vmem_shared>>
      tpu.enqueue_indirect_dma source(%dma_start3A_125 : memref<80x128xf32, #tpu.memory_space<vmem>>) target(%dma_start3A_131 : memref<64x128xf32, #tpu.memory_space<vmem_shared>>) offsets(%dma_start3A_128 : memref<80xi32, #tpu.memory_space<vmem>>) semaphore(%arg11 : memref<!tpu.dma_semaphore, #tpu.memory_space<semaphore_mem>>) {add = true}
      %dma_wait3A_132 = arith.constant 0 : i32
      %dma_wait3A_133 = arith.constant 0 : i32
      %dma_wait3A_134 = arith.constant 0 : i32
      %dma_wait3A_135 = tpu.memref_slice %arg6[%dma_wait3A_133, %dma_wait3A_134] : memref<320x128xf32, #tpu.memory_space<vmem>> -> memref<80x128xf32, #tpu.memory_space<vmem>>
      %dma_wait3A_136 = arith.constant 0 : i32
      %dma_wait3A_137 = tpu.memref_slice %arg7[%dma_wait3A_132, %dma_wait3A_136] : memref<4x80xi32, #tpu.memory_space<vmem>> -> memref<1x80xi32, #tpu.memory_space<vmem>>
      %dma_wait3A_138 = tpu.memref_squeeze %dma_wait3A_137 : memref<1x80xi32, #tpu.memory_space<vmem>> -> memref<80xi32, #tpu.memory_space<vmem>>
      %dma_wait3A_139 = arith.constant 0 : i32
      %dma_wait3A_140 = arith.constant 0 : i32
      %dma_wait3A_141 = tpu.memref_slice %arg10[%dma_wait3A_139, %dma_wait3A_140] : memref<64x128xf32, #tpu.memory_space<vmem_shared>> -> memref<64x128xf32, #tpu.memory_space<vmem_shared>>
      tpu.wait_indirect_dma semaphore(%arg11 : memref<!tpu.dma_semaphore, #tpu.memory_space<semaphore_mem>>) src(%dma_wait3A_135 : memref<80x128xf32, #tpu.memory_space<vmem>>) dst(%dma_wait3A_141 : memref<64x128xf32, #tpu.memory_space<vmem_shared>>)
      %dma_wait3A_142 = arith.constant 1 : i32
      %dma_wait3A_143 = arith.constant 80 : i32
      %dma_wait3A_144 = arith.constant 0 : i32
      %dma_wait3A_145 = tpu.memref_slice %arg6[%dma_wait3A_143, %dma_wait3A_144] : memref<320x128xf32, #tpu.memory_space<vmem>> -> memref<80x128xf32, #tpu.memory_space<vmem>>
      %dma_wait3A_146 = arith.constant 0 : i32
      %dma_wait3A_147 = tpu.memref_slice %arg7[%dma_wait3A_142, %dma_wait3A_146] : memref<4x80xi32, #tpu.memory_space<vmem>> -> memref<1x80xi32, #tpu.memory_space<vmem>>
      %dma_wait3A_148 = tpu.memref_squeeze %dma_wait3A_147 : memref<1x80xi32, #tpu.memory_space<vmem>> -> memref<80xi32, #tpu.memory_space<vmem>>
      %dma_wait3A_149 = arith.constant 0 : i32
      %dma_wait3A_150 = arith.constant 0 : i32
      %dma_wait3A_151 = tpu.memref_slice %arg10[%dma_wait3A_149, %dma_wait3A_150] : memref<64x128xf32, #tpu.memory_space<vmem_shared>> -> memref<64x128xf32, #tpu.memory_space<vmem_shared>>
      tpu.wait_indirect_dma semaphore(%arg11 : memref<!tpu.dma_semaphore, #tpu.memory_space<semaphore_mem>>) src(%dma_wait3A_145 : memref<80x128xf32, #tpu.memory_space<vmem>>) dst(%dma_wait3A_151 : memref<64x128xf32, #tpu.memory_space<vmem_shared>>)
      %dma_wait3A_152 = arith.constant 2 : i32
      %dma_wait3A_153 = arith.constant 160 : i32
      %dma_wait3A_154 = arith.constant 0 : i32
      %dma_wait3A_155 = tpu.memref_slice %arg6[%dma_wait3A_153, %dma_wait3A_154] : memref<320x128xf32, #tpu.memory_space<vmem>> -> memref<80x128xf32, #tpu.memory_space<vmem>>
      %dma_wait3A_156 = arith.constant 0 : i32
      %dma_wait3A_157 = tpu.memref_slice %arg7[%dma_wait3A_152, %dma_wait3A_156] : memref<4x80xi32, #tpu.memory_space<vmem>> -> memref<1x80xi32, #tpu.memory_space<vmem>>
      %dma_wait3A_158 = tpu.memref_squeeze %dma_wait3A_157 : memref<1x80xi32, #tpu.memory_space<vmem>> -> memref<80xi32, #tpu.memory_space<vmem>>
      %dma_wait3A_159 = arith.constant 0 : i32
      %dma_wait3A_160 = arith.constant 0 : i32
      %dma_wait3A_161 = tpu.memref_slice %arg10[%dma_wait3A_159, %dma_wait3A_160] : memref<64x128xf32, #tpu.memory_space<vmem_shared>> -> memref<64x128xf32, #tpu.memory_space<vmem_shared>>
      tpu.wait_indirect_dma semaphore(%arg11 : memref<!tpu.dma_semaphore, #tpu.memory_space<semaphore_mem>>) src(%dma_wait3A_155 : memref<80x128xf32, #tpu.memory_space<vmem>>) dst(%dma_wait3A_161 : memref<64x128xf32, #tpu.memory_space<vmem_shared>>)
      %dma_wait3A_162 = arith.constant 3 : i32
      %dma_wait3A_163 = arith.constant 240 : i32
      %dma_wait3A_164 = arith.constant 0 : i32
      %dma_wait3A_165 = tpu.memref_slice %arg6[%dma_wait3A_163, %dma_wait3A_164] : memref<320x128xf32, #tpu.memory_space<vmem>> -> memref<80x128xf32, #tpu.memory_space<vmem>>
      %dma_wait3A_166 = arith.constant 0 : i32
      %dma_wait3A_167 = tpu.memref_slice %arg7[%dma_wait3A_162, %dma_wait3A_166] : memref<4x80xi32, #tpu.memory_space<vmem>> -> memref<1x80xi32, #tpu.memory_space<vmem>>
      %dma_wait3A_168 = tpu.memref_squeeze %dma_wait3A_167 : memref<1x80xi32, #tpu.memory_space<vmem>> -> memref<80xi32, #tpu.memory_space<vmem>>
      %dma_wait3A_169 = arith.constant 0 : i32
      %dma_wait3A_170 = arith.constant 0 : i32
      %dma_wait3A_171 = tpu.memref_slice %arg10[%dma_wait3A_169, %dma_wait3A_170] : memref<64x128xf32, #tpu.memory_space<vmem_shared>> -> memref<64x128xf32, #tpu.memory_space<vmem_shared>>
      tpu.wait_indirect_dma semaphore(%arg11 : memref<!tpu.dma_semaphore, #tpu.memory_space<semaphore_mem>>) src(%dma_wait3A_165 : memref<80x128xf32, #tpu.memory_space<vmem>>) dst(%dma_wait3A_171 : memref<64x128xf32, #tpu.memory_space<vmem_shared>>)
    } else {
    }
    %convert_element_type3A_37 = arith.extui %eq3A_3 : i1 to i32
    %cond3A_38 = arith.constant 0 : i32
    %cond3A_39 = arith.cmpi ne, %convert_element_type3A_37, %cond3A_38 : i32
    scf.if %cond3A_39 {
      %dma_wait3A = arith.constant 0 : i32
      %dma_wait3A_46 = arith.constant 0 : i32
      %dma_wait3A_47 = tpu.memref_slice %arg6[%dma_wait3A, %dma_wait3A_46] : memref<320x128xf32, #tpu.memory_space<vmem>> -> memref<80x128xf32, #tpu.memory_space<vmem>>
      %dma_wait3A_48 = arith.constant 0 : i32
      %dma_wait3A_49 = tpu.memref_slice %arg2[%mul3A_2, %dma_wait3A_48] : memref<10000x128xf32, #tpu.memory_space<hbm>> -> memref<80x128xf32, #tpu.memory_space<hbm>>
      %dma_wait3A_50 = arith.constant 0 : i32
      %dma_wait3A_51 = arith.constant 0 : i32
      %dma_wait3A_52 = tpu.memref_slice %arg6[%dma_wait3A_50, %dma_wait3A_51] : memref<320x128xf32, #tpu.memory_space<vmem>> -> memref<80x128xf32, #tpu.memory_space<vmem>>
      %dma_wait3A_53 = arith.constant 0 : i32
      %dma_wait3A_54 = tpu.memref_slice %arg2[%mul3A_2, %dma_wait3A_53] : memref<10000x128xf32, #tpu.memory_space<hbm>> -> memref<80x128xf32, #tpu.memory_space<hbm>>
      tpu.wait_dma2 semaphore(%arg12 : memref<!tpu.dma_semaphore, #tpu.memory_space<semaphore_mem>>) src(%dma_wait3A_54 : memref<80x128xf32, #tpu.memory_space<hbm>>) dst(%dma_wait3A_52 : memref<80x128xf32, #tpu.memory_space<vmem>>)
      %dma_start3A = arith.constant 0 : i32
      %dma_start3A_55 = arith.constant 0 : i32
      %dma_start3A_56 = arith.constant 0 : i32
      %dma_start3A_57 = tpu.memref_slice %arg6[%dma_start3A_55, %dma_start3A_56] : memref<320x128xf32, #tpu.memory_space<vmem>> -> memref<80x128xf32, #tpu.memory_space<vmem>>
      %dma_start3A_58 = arith.constant 0 : i32
      %dma_start3A_59 = tpu.memref_slice %arg7[%dma_start3A, %dma_start3A_58] : memref<4x80xi32, #tpu.memory_space<vmem>> -> memref<1x80xi32, #tpu.memory_space<vmem>>
      %dma_start3A_60 = tpu.memref_squeeze %dma_start3A_59 : memref<1x80xi32, #tpu.memory_space<vmem>> -> memref<80xi32, #tpu.memory_space<vmem>>
      %dma_start3A_61 = arith.constant 0 : i32
      %dma_start3A_62 = arith.constant 0 : i32
      %dma_start3A_63 = tpu.memref_slice %arg10[%dma_start3A_61, %dma_start3A_62] : memref<64x128xf32, #tpu.memory_space<vmem_shared>> -> memref<64x128xf32, #tpu.memory_space<vmem_shared>>
      tpu.enqueue_indirect_dma source(%dma_start3A_57 : memref<80x128xf32, #tpu.memory_space<vmem>>) target(%dma_start3A_63 : memref<64x128xf32, #tpu.memory_space<vmem_shared>>) offsets(%dma_start3A_60 : memref<80xi32, #tpu.memory_space<vmem>>) semaphore(%arg11 : memref<!tpu.dma_semaphore, #tpu.memory_space<semaphore_mem>>) {add = true}
      %dma_wait3A_64 = arith.constant 0 : i32
      %dma_wait3A_65 = arith.constant 0 : i32
      %dma_wait3A_66 = arith.constant 0 : i32
      %dma_wait3A_67 = tpu.memref_slice %arg6[%dma_wait3A_65, %dma_wait3A_66] : memref<320x128xf32, #tpu.memory_space<vmem>> -> memref<80x128xf32, #tpu.memory_space<vmem>>
      %dma_wait3A_68 = arith.constant 0 : i32
      %dma_wait3A_69 = tpu.memref_slice %arg7[%dma_wait3A_64, %dma_wait3A_68] : memref<4x80xi32, #tpu.memory_space<vmem>> -> memref<1x80xi32, #tpu.memory_space<vmem>>
      %dma_wait3A_70 = tpu.memref_squeeze %dma_wait3A_69 : memref<1x80xi32, #tpu.memory_space<vmem>> -> memref<80xi32, #tpu.memory_space<vmem>>
      %dma_wait3A_71 = arith.constant 0 : i32
      %dma_wait3A_72 = arith.constant 0 : i32
      %dma_wait3A_73 = tpu.memref_slice %arg10[%dma_wait3A_71, %dma_wait3A_72] : memref<64x128xf32, #tpu.memory_space<vmem_shared>> -> memref<64x128xf32, #tpu.memory_space<vmem_shared>>
      tpu.wait_indirect_dma semaphore(%arg11 : memref<!tpu.dma_semaphore, #tpu.memory_space<semaphore_mem>>) src(%dma_wait3A_67 : memref<80x128xf32, #tpu.memory_space<vmem>>) dst(%dma_wait3A_73 : memref<64x128xf32, #tpu.memory_space<vmem_shared>>)
    } else {
    }
    %barrier3A_40 = arith.constant 0 : index
    tpu.barrier barrier_id(%barrier3A_40)
    %eq3A_41 = arith.constant 0 : i32
    %eq3A_42 = arith.cmpi eq, %arg1, %eq3A_41 : i32
    %convert_element_type3A_43 = arith.extui %eq3A_42 : i1 to i32
    %cond3A_44 = arith.constant 0 : i32
    %cond3A_45 = arith.cmpi ne, %convert_element_type3A_43, %cond3A_44 : i32
    scf.if %cond3A_45 {
      "tpu.region"() ({
        %run_scoped3A = tpu.sem_alloc : memref<!tpu.dma_semaphore, #tpu.memory_space<semaphore_mem>>
        %dma_start3A = arith.constant 0 : i32
        %dma_start3A_46 = arith.constant 0 : i32
        %dma_start3A_47 = tpu.memref_slice %arg4[%arg0, %dma_start3A, %dma_start3A_46] : memref<2x64x128xf32, #tpu.memory_space<hbm>> -> memref<1x64x128xf32, #tpu.memory_space<hbm>>
        %dma_start3A_48 = tpu.memref_squeeze %dma_start3A_47 : memref<1x64x128xf32, #tpu.memory_space<hbm>> -> memref<64x128xf32, #tpu.memory_space<hbm>>
        tpu.enqueue_dma source(%arg10 : memref<64x128xf32, #tpu.memory_space<vmem_shared>>) target(%dma_start3A_48 : memref<64x128xf32, #tpu.memory_space<hbm>>) target_semaphore(%run_scoped3A : memref<!tpu.dma_semaphore, #tpu.memory_space<semaphore_mem>>)
        %dma_wait3A = arith.constant 0 : i32
        %dma_wait3A_49 = arith.constant 0 : i32
        %dma_wait3A_50 = tpu.memref_slice %arg4[%arg0, %dma_wait3A, %dma_wait3A_49] : memref<2x64x128xf32, #tpu.memory_space<hbm>> -> memref<1x64x128xf32, #tpu.memory_space<hbm>>
        %dma_wait3A_51 = tpu.memref_squeeze %dma_wait3A_50 : memref<1x64x128xf32, #tpu.memory_space<hbm>> -> memref<64x128xf32, #tpu.memory_space<hbm>>
        tpu.wait_dma2 semaphore(%run_scoped3A : memref<!tpu.dma_semaphore, #tpu.memory_space<semaphore_mem>>) src(%arg10 : memref<64x128xf32, #tpu.memory_space<vmem_shared>>) dst(%dma_wait3A_51 : memref<64x128xf32, #tpu.memory_space<hbm>>)
        tpu.yield
      }) : () -> ()
    } else {
    }
    "tpu.region"() ({
      %run_scoped3A = tpu.sem_alloc : memref<!tpu.dma_semaphore, #tpu.memory_space<semaphore_mem>>
      %dma_start3A = arith.constant 0 : i32
      %dma_start3A_46 = arith.constant 0 : i32
      %dma_start3A_47 = tpu.memref_slice %arg5[%add3A, %dma_start3A, %dma_start3A_46] : memref<32x64x16xf32, #tpu.memory_space<hbm>> -> memref<1x64x16xf32, #tpu.memory_space<hbm>>
      %dma_start3A_48 = tpu.memref_squeeze %dma_start3A_47 : memref<1x64x16xf32, #tpu.memory_space<hbm>> -> memref<64x16xf32, #tpu.memory_space<hbm>>
      %dma_start3A_49 = arith.constant 0 : i32
      %dma_start3A_50 = arith.constant 0 : i32
      %dma_start3A_51 = tpu.memref_slice %arg5[%add3A, %dma_start3A_49, %dma_start3A_50] : memref<32x64x16xf32, #tpu.memory_space<hbm>> -> memref<1x64x16xf32, #tpu.memory_space<hbm>>
      %dma_start3A_52 = tpu.memref_squeeze %dma_start3A_51 : memref<1x64x16xf32, #tpu.memory_space<hbm>> -> memref<64x16xf32, #tpu.memory_space<hbm>>
      tpu.enqueue_dma source(%arg8 : memref<64x16xf32, #tpu.memory_space<vmem>>) target(%dma_start3A_52 : memref<64x16xf32, #tpu.memory_space<hbm>>) target_semaphore(%run_scoped3A : memref<!tpu.dma_semaphore, #tpu.memory_space<semaphore_mem>>)
      %dma_wait3A = arith.constant 0 : i32
      %dma_wait3A_53 = arith.constant 0 : i32
      %dma_wait3A_54 = tpu.memref_slice %arg5[%add3A, %dma_wait3A, %dma_wait3A_53] : memref<32x64x16xf32, #tpu.memory_space<hbm>> -> memref<1x64x16xf32, #tpu.memory_space<hbm>>
      %dma_wait3A_55 = tpu.memref_squeeze %dma_wait3A_54 : memref<1x64x16xf32, #tpu.memory_space<hbm>> -> memref<64x16xf32, #tpu.memory_space<hbm>>
      %dma_wait3A_56 = arith.constant 0 : i32
      %dma_wait3A_57 = arith.constant 0 : i32
      %dma_wait3A_58 = tpu.memref_slice %arg5[%add3A, %dma_wait3A_56, %dma_wait3A_57] : memref<32x64x16xf32, #tpu.memory_space<hbm>> -> memref<1x64x16xf32, #tpu.memory_space<hbm>>
      %dma_wait3A_59 = tpu.memref_squeeze %dma_wait3A_58 : memref<1x64x16xf32, #tpu.memory_space<hbm>> -> memref<64x16xf32, #tpu.memory_space<hbm>>
      tpu.wait_dma2 semaphore(%run_scoped3A : memref<!tpu.dma_semaphore, #tpu.memory_space<semaphore_mem>>) src(%arg8 : memref<64x16xf32, #tpu.memory_space<vmem>>) dst(%dma_wait3A_59 : memref<64x16xf32, #tpu.memory_space<hbm>>)
      tpu.yield
    }) : () -> ()
    return
  }
}

</mosaic_0001>

<sc_bundles>
// kernel: _segment_partials.3.cloned.1.call-start
scs
__scs_entry_jumppad:
0x0: {  	(pc) =	sbr.rel $0x88, $3  }
0x1: {  	(tag) =	ssettag $0x0;
	lr =	simm.s32 $0x1  }
0x2: {  	[smem:$0x3F9F] =	sst lr;
	_ =	strace $0xD0000000  }
0x3: {  	_ = 	snop  }
0x4: {  	_ = 	snop  }
0x5: {  	_ = 	snop  }
0x6: {  	_ = 	snop  }
0x7: {  	_ = 	snop  }
__scs_overlays_trampoline_lowered:
0x8: {  	[smem:$0x3FAE] =	sst s0  }
0x9: {  	[smem:$0x3FAF] =	sst s1  }
0xa: {  	[smem:$0x3FB0] =	sst s2  }
0xb: {  	[smem:$0x3FB1] =	sst s3  }
0xc: {  	[smem:$0x3FB2] =	sst s4  }
0xd: {  	[smem:$0x3FB3] =	sst s5  }
0xe: {  	[smem:$0x3FB4] =	sst s6  }
0xf: {  	[smem:$0x3FB5] =	sst s7  }
0x10: {  	[smem:$0x3FB6] =	sst s8  }
0x11: {  	[smem:$0x3FB7] =	sst s9;
	s0 =	simm.s32 @!p0 $0x0  }
0x12: {  	s1 =	sld [smem:$0x3F9D];
	s0 =	simm.s32 @p0 $0x1  }
0x13: {  	[smem:$0x3FB8] =	sst s0;
	s0 =	simm.s32 @!p1 $0x0  }
0x14: {  	s2 =	sld [smem:$0x3F9C];
	s0 =	simm.s32 @p1 $0x1  }
0x15: {  	[smem:$0x3FB9] =	sst s0;
	s0 =	simm.s32 @!p2 $0x0  }
0x16: {  	s3 =	sld [smem:$0x3FDB];
	s0 =	simm.s32 @p2 $0x1  }
0x17: {  	s4 =	simm.s32 $0x1BF5;
	[smem:$0x3FBB] =	sst s0  }
0x18: {  	s0 =	sld [smem:$0x3F9E];
	_ =	swait.ge [sflag:s4], $0x0  }
0x19: {  	s7 =	sld [smem:$0x3F9F]  }
0x1a: {  	s8 =	sadd.s32 $0xFFFFE003, lr  }
0x1b: {  	s9 =	sadd.s32 $0xFFFFFEF7, lr;
	s5 =	simm.s32 $0xFFFFFFFF;
	p2 =	slt.u32 s8, $0xFFFFF086  }
0x1c: {  	p1 =	slt.u32 s9, $0xF7A;
	s5 =	simm.s32 @!p2 $0x0  }
0x1d: {  	s5 =	simm.s32 @p1 $0x1;
	p0 =	seq.s32 s7, s2  }
0x1e: {  	s7 =	smul.u32 @!p0 $0xF7A, s2;
	p2 =	seq.s32 @!p0 s5, $0x0  }
0x1f: {  	s9 =	smul.u32 $0xF7A, s1;
	s8 =	simm.s32 @!p0 $0x1BF5;
	p2 =	por !p2, p0  }
0x20: {  	[sflag:s8] =	ssyncset.s32 @!p0 $0xFFFFF086;
	s6 =	sadd.s32 @!p0 s3, s7;
	s7 =	simm.s32 @!p0 $0x108  }
0x21: {  	s3 =	sadd.s32 s3, s9;
	s6 =	sadd.s32 @!p0 $0x88, s6;
	s7 =	simm.s32 @p2 $0x1082  }
0x22: {  	[simem:s7], [sflag:s8] =	dma.local @!p0 [hbm:s6], $0xF7A  }
0x23: {  	s9 =	sor.u32 $0xD0000000, s2;
	s6 =	simm.s32 $0x108;
	_ =	swait.ge @!p0 [sflag:s8], $0x0  }
0x24: {  	s3 =	sadd.s32 $0x88, s3;
	s6 =	simm.s32 @!p1 $0x1082;
	[sflag:s4] =	ssyncset.s32 $0xFFFFF086  }
0x25: {  	[simem:s6], [sflag:s4] =	dma.local [hbm:s3], $0xF7A  }
0x26: {  	[smem:$0x3F9F] =	sst s1;
	(tag) =	ssettag s2;
	_ =	strace s9  }
0x27: {  	s1 =	sld [smem:$0x3FAF]  }
0x28: {  	s2 =	sld [smem:$0x3FB0]  }
0x29: {  	s4 =	sld [smem:$0x3FB2]  }
0x2a: {  	p0 =	seq.s32 s5, $0x0;
	s5 =	sld [smem:$0x3FB3]  }
0x2b: {  	s6 =	sld [smem:$0x3FB4]  }
0x2c: {  	s7 =	sld [smem:$0x3FB5]  }
0x2d: {  	s3 =	simm.s32 $0x108;
	s8 =	sld [smem:$0x3FB6]  }
0x2e: {  	s3 =	simm.s32 @!p0 $0x1082;
	s9 =	sld [smem:$0x3FB7]  }
0x2f: {  	lr =	sadd.s32 s0, s3;
	s0 =	sld [smem:$0x3FAE]  }
0x30: {  	s3 =	sld [smem:$0x3FB1]  }
0x31: {  	[smem:$0x3FBA] =	sst s10  }
0x32: {  	s10 =	sld [smem:$0x3FB8];
	_ =	sdelay $0x3  }
0x33: {  	p0 =	seq.s32 s10, $0x1;
	s10 =	sld [smem:$0x3FBA];
	_ =	sdelay $0x3  }
0x34: {  	[smem:$0x3FBA] =	sst s10  }
0x35: {  	s10 =	sld [smem:$0x3FB9];
	_ =	sdelay $0x3  }
0x36: {  	p1 =	seq.s32 s10, $0x1;
	s10 =	sld [smem:$0x3FBA];
	_ =	sdelay $0x3  }
0x37: {  	[smem:$0x3FBA] =	sst s10  }
0x38: {  	s10 =	sld [smem:$0x3FBB]  }
0x39: {  	_ = 	snop;
	(pc) =	sbr.ind lr, $3  }
0x3a: {  	_ = 	snop  }
0x3b: {  	_ = 	snop  }
0x3c: {  	p2 =	seq.s32 s10, $0x1;
	s10 =	sld [smem:$0x3FBA]  }
0x3d: {  	_ =	shalt  }
0x3e: {  	_ =	shalt  }
0x3f: {  	_ =	shalt  }
0x40: {  	_ =	shalt  }
0x41: {  	_ =	shalt  }
0x42: {  	_ =	shalt  }
0x43: {  	_ =	shalt  }
0x44: {  	_ =	shalt  }
0x45: {  	_ =	shalt  }
0x46: {  	_ =	shalt  }
0x47: {  	_ =	shalt  }
0x48: {  	_ =	shalt  }
0x49: {  	_ =	shalt  }
0x4a: {  	_ =	shalt  }
0x4b: {  	_ =	shalt  }
0x4c: {  	_ =	shalt  }
0x4d: {  	_ =	shalt  }
0x4e: {  	_ =	shalt  }
0x4f: {  	_ =	shalt  }
0x50: {  	_ =	shalt  }
0x51: {  	_ =	shalt  }
0x52: {  	_ =	shalt  }
0x53: {  	_ =	shalt  }
0x54: {  	_ =	shalt  }
0x55: {  	_ =	shalt  }
0x56: {  	_ =	shalt  }
0x57: {  	_ =	shalt  }
0x58: {  	_ =	shalt  }
0x59: {  	_ =	shalt  }
0x5a: {  	_ =	shalt  }
0x5b: {  	_ =	shalt  }
0x5c: {  	_ =	shalt  }
0x5d: {  	_ =	shalt  }
0x5e: {  	_ =	shalt  }
0x5f: {  	_ =	shalt  }
0x60: {  	_ =	shalt  }
0x61: {  	_ =	shalt  }
0x62: {  	_ =	shalt  }
0x63: {  	_ =	shalt  }
0x64: {  	_ =	shalt  }
0x65: {  	_ =	shalt  }
0x66: {  	_ =	shalt  }
0x67: {  	_ =	shalt  }
0x68: {  	_ =	shalt  }
0x69: {  	_ =	shalt  }
0x6a: {  	_ =	shalt  }
0x6b: {  	_ =	shalt  }
0x6c: {  	_ =	shalt  }
0x6d: {  	_ =	shalt  }
0x6e: {  	_ =	shalt  }
0x6f: {  	_ =	shalt  }
0x70: {  	_ =	shalt  }
0x71: {  	_ =	shalt  }
0x72: {  	_ =	shalt  }
0x73: {  	_ =	shalt  }
0x74: {  	_ =	shalt  }
0x75: {  	_ =	shalt  }
0x76: {  	_ =	shalt  }
0x77: {  	_ =	shalt  }
0x78: {  	_ =	shalt  }
0x79: {  	_ =	shalt  }
0x7a: {  	_ =	shalt  }
0x7b: {  	_ =	shalt  }
0x7c: {  	_ =	shalt  }
0x7d: {  	_ =	shalt  }
0x7e: {  	_ =	shalt  }
0x7f: {  	_ =	shalt  }
0x80: {  	_ =	shalt  }
0x81: {  	_ =	shalt  }
0x82: {  	_ =	shalt  }
0x83: {  	_ =	shalt  }
0x84: {  	_ =	shalt  }
0x85: {  	_ =	shalt  }
0x86: {  	_ =	shalt  }
0x87: {  	_ =	shalt  }
.Lfunc_end0:
.L_simem_size_0:
called_computation_lowered:
.L_overlay_start_0:
0x88: {  	s2 =	sld [smem:$0x3FD9]  }
0x89: {  	s3 =	sld [smem:$0x3FFE];
	_ =	sdelay $0x1  }
0x8a: {  	s1 =	srdreg.scid  }
0x8b: {  	s0 =	sand.u32 $0x1, s1  }
0x8c: {  	s14 =	sshll.u32 s0, $0xA;
	s2 =	sadd.s32 s3, s2  }
0x8d: {  	s2 =	sadd.s32 s2, s14  }
0x8e: {  	[smem:$0x3FC6] =	sst s2  }
0x8f: {  	_ = 	snop  }
0x90: {  	s2 =	sld [smem:$0x3FD0];
	_ =	sdelay $0x1  }
0x91: {  	s15 =	sld [smem:$0x3FC9]  }
0x92: {  	s5 =	simm.s32 $0xA;
	s6 =	simm.s32 $0x10;
	s4 =	sld [smem:$0x3FC8]  }
0x93: {  	[smem:s6], [sflag:s5] =	dma.local [hbm:s2], $0x1  }
0x94: {  	_ =	swait.eq [sflag:s5], $0x1  }
0x95: {  	[sflag:s5] =	ssyncset.done $0x0  }
0x96: {  	[sflag:s5] =	ssyncadd.s32 $0xFFFFFFFF  }
0x97: {  	s16 =	sld [smem:$0x10];
	(tm) =	ssettm $0x1  }
0x98: {  	s17 =	sld [smem:$0x3FFB];
	_ =	sdelay $0x3  }
0x99: {  	_ =	strace s17  }
0x9a: {  	s5 =	sld [smem:$0x3FFC];
	_ =	sdelay $0x3  }
0x9b: {  	_ =	strace s5  }
0x9c: {  	s5 =	sld [smem:$0x3FFD];
	_ =	sdelay $0x3  }
0x9d: {  	_ =	strace s5  }
0x9e: {  	_ =	strace $0x8FFFFFFF  }
0x9f: {  	s18 =	sld [smem:$0x3FDB];
	_ =	sdelay $0x1  }
0xa0: {  	s19 =	simm.s32 $_scs_section_size  }
0xa1: {  	s7 =	simm.s32 $_size__tile_overlayer_lowered;
	s8 =	simm.s32 $_tile_overlayer_lowered  }
0xa2: {  	s22 =	simm.s32 $0x1BFF;
	s21 =	sshll.u32 s8, $0x1;
	s5 =	sadd.s32 s19, s18  }
0xa3: {  	s9 =	simm.s32 $0x0;
	s20 =	sshll.u32 s7, $0x1;
	s7 =	sadd.s32 s21, s5  }
0xa4: {  	[timem:s9], [sflag:s22] =	dma.local [hbm:s7], s20  }
0xa5: {  	_ =	swait.ge [sflag:s22], s20  }
0xa6: {  	s6 =	ssub.s32 $0x0, s20;
	[sflag:s22] =	ssyncset.done $0x0  }
0xa7: {  	[sflag:s22] =	ssyncadd.s32 s6;
	_ =	sdelay $0x1  }
0xa8: {  	s23 =	simm.s32 $0x1B8B  }
0xa9: {  	_ =	swait.ge [sflag:s23], $0x1  }
0xaa: {  	[sflag:s23] =	ssyncset.done $0x0  }
0xab: {  	s25 =	simm.s32 $0x1B8E;
	s24 =	sld [smem:$0x3FFE];
	[sflag:s23] =	ssyncadd.s32 $0xFFFFFFFF  }
0xac: {  	s26 =	simm.s32 $execute0_lowered;
	[smem:$0x3FD2] =	sst s25  }
0xad: {  	s7 =	sshll.u32 s26, $0x1;
	_ =	strace $0x80000046;
	[dreg:$0x1] =	wrdreg $0xFFFFFFFF  }
0xae: {  	s28 =	simm.s32 $_size_execute0_lowered;
	s5 =	sadd.s32 s5, s7;
	[dreg:$0x0] =	wrdreg $0x0  }
0xaf: {  	s7 =	sshll.u32 s28, $0x1;
	[dreg:$0x2] =	wrdreg s5  }
0xb0: {  	[dreg:$0x3] =	wrdreg s7  }
0xb1: {  	[dreg:$0x4] =	wrdreg $0xC0  }
0xb2: {  	_ =	task [dreg:s9], $0x5FFFF  }
0xb3: {  	[dreg:$0x1] =	wrdreg $0xFFFFFFFF  }
0xb4: {  	[dreg:$0x0] =	wrdreg $0x60  }
0xb5: {  	[dreg:$0x2] =	wrdreg s15  }
0xb6: {  	[dreg:$0x3] =	wrdreg s4  }
0xb7: {  	[dreg:$0x4] =	wrdreg s16  }
0xb8: {  	[dreg:$0x5] =	wrdreg s24  }
0xb9: {  	[dreg:$0x6] =	wrdreg $0xE2000  }
0xba: {  	[dreg:$0x7] =	wrdreg $0x9  }
0xbb: {  	_ =	task.clear_ibuf [dreg:s9], $0x8FFFF;
	_ =	strace $0x90000046  }
0xbc: {  	s29 =	simm.s32 $0x9;
	_ =	strace $0x80000048  }
0xbd: {  	_ =	swait.ge [sflag:s29], $0x1  }
0xbe: {  	[sflag:s29] =	ssyncadd.s32 $0xFFFFFFFF  }
0xbf: {  	_ =	strace $0x90000048  }
0xc0: {  	_ =	sfence  }
0xc1: {  	s30 =	sld [smem:$0x0];
	_ =	sdelay $0x2  }
0xc2: {  	s31 =	sshll.u32 s1, $0xD;
	s1 =	sshrl.u32 s1, $0x2  }
0xc3: {  	s3 =	sand.u32 $0x4000, s31;
	s1 =	sadd.s32 s1, s30  }
0xc4: {  	s0 =	sor.u32 s3, s0;
	s1 =	sshll.u32 s1, $0x11  }
0xc5: {  	s0 =	sor.u32 s1, s0  }
0xc6: {  	s0 =	sadd.s32 $0x8F2B, s0  }
0xc7: {  	[sflag:s0] =	ssyncadd.remote.s32 $0x1  }
0xc8: {  	_ =	sfence.sel $0xFFFF  }
0xc9: {  	[dreg:$0x0] =	wrdreg $0xFFFFFFFF;
	(pc) =	sbr.abs _section_cstart, $3  }
0xca: {  	[dreg:$0x1] =	wrdreg $0xFFFFFFFF  }
0xcb: {  	_ =	task.clear_ibuf [dreg:s9], $0x2FFFF;
	_ =	strace $0x9FFFFFFF  }
0xcc: {  	(tm) =	ssettm $0x7FFFFFFF  }
0xcd: {  	_ =	shalt  }
tec
execute0_lowered:
.L_overlay_start_1:
0x0: {  	(tag) =	ssettag $0x1  }
0x1: {  	s12 =	rddreg [dreg:$0x0]  }
0x2: {  	s11 =	rddreg [dreg:$0x1]  }
0x3: {  	s13 =	rddreg [dreg:$0x2]  }
0x4: {  	s3 =	rddreg [dreg:$0x3]  }
0x5: {  	s1 =	rddreg [dreg:$0x4]  }
0x6: {  	s0 =	rddreg [dreg:$0x5]  }
0x7: {  	s4 =	srdreg.scid;
	s16 =	stileid.u32  }
0x8: {  	s2 =	simm.s32 $0x0;
	s19 =	simm.s32 $0x1;
	s20 =	simm.s32 $0xA200  }
0x9: {  	s21 =	simm.s32 $0x0;
	s14 =	sand.u32 $0x1, s4;
	s22 =	sshll.u32 s16, $0x1  }
0xa: {  	[smem:$0x7FF] =	sst s2;
	p1 =	sne.s32 s16, $0x0;
	s16 =	simm.s32 $0xC200  }
0xb: {  	s4 =	sor.u32 s14, s22;
	s5 =	ssub.s32 $0x2, s14;
	_ =	strace $0x80000047  }
0xc: {  	s14 =	sshll.u32 s14, $0xA;
	s6 =	sshll.u32 s4, $0xA;
	s8 =	smul.u32 $0x140, s4  }
0xd: {  	s7 =	sshrl.u32 s5, $0x1;
	p0 =	seq.s32 s4, $0x1F;
	s26 =	smul.u32 $0x1400, s4  }
0xe: {  	s13 =	sadd.s32 s13, s14;
	s15 =	sadd.s32 s6, s3;
	s17 =	ssub.s32 s5, s7  }
0xf: {  	s23 =	sshrl.u32 s8, $0x3;
	s9 =	sadd.s32 $0x50, s8;
	s10 =	sadd.s32 $0xA0, s8  }
0x10: {  	s18 =	sadd.s32 $0xF0, s8;
	s7 =	sadd.s32 s12, s26;
	s14 =	sadd.s32 $0x800, s15  }
0x11: {  	s15 =	smax.u32 s17, $0x1;
	s17 =	simm.s32 $0x3;
	s3 =	sadd.s32 s11, s23  }
0x12: {  	s24 =	sshrl.u32 s9, $0x3;
	s25 =	sshrl.u32 s10, $0x3;
	s28 =	sshrl.u32 s18, $0x3  }
0x13: {  	s29 =	sshll.u32 s9, $0x4;
	s30 =	sshll.u32 s10, $0x4;
	s31 =	sshll.u32 s18, $0x4  }
0x14: {  	s18 =	sadd.s32 $0x26C00, s12;
	s4 =	sadd.s32 s11, s24;
	s5 =	sadd.s32 s11, s25  }
0x15: {  	s6 =	sadd.s32 s11, s28;
	s8 =	sadd.s32 s12, s29;
	s9 =	sadd.s32 s12, s30  }
0x16: {  	s10 =	sadd.s32 s12, s31;
	s11 =	sadd.s32 $0x4D8, s11;
	s12 =	simm.s32 $0x5  }
0x17: {  	v0 =	vimm.f32 $0.0e+00;
	v1 =	vimm.f32 $1.000000000e+00;
	s12 =	simm.s32 @!p0 $0x14;
	s10 =	smov.u32 @p0 s18;
	s18 =	simm.s32 $0x2  }
.LBB2_1:
0x18: {  	s22 =	simm.s32 @p0 $0x0;
	s23 =	simm.s32 @p0 $0xA000  }
0x19: {  	[tilespmem:s23], [sflag:$0x3] =	stream.linear.gather @p0 [hbm4b:s11+s22], $0x50, $0x38;
	[tilespmem:$0xE400] =	vst v63  }
0x1a: {  	s22 =	simm.s32 @p0 $0x3  }
0x1b: {  	_ =	swait.ge @p0 [sflag:s22], $0x50  }
0x1c: {  	[sflag:s22] =	ssyncset.done @p0 $0x0  }
0x1d: {  	s23 =	simm.s32 @!p0 $0xA000;
	[sflag:s22] =	ssyncadd.s32 @p0 $0xFFFFFFB0;
	s22 =	simm.s32 @!p0 $0x0  }
0x1e: {  	[tilespmem:s23], [sflag:$0x3] =	stream.linear.gather @!p0 [hbm4b:s3+s22], $0x50, $0x38;
	[tilespmem:$0xE400] =	vst v63  }
0x1f: {  	s23 =	simm.s32 @!p0 $0x3  }
0x20: {  	_ =	swait.ge @!p0 [sflag:s23], $0x50  }
0x21: {  	[sflag:s23] =	ssyncset.done @!p0 $0x0  }
0x22: {  	s24 =	simm.s32 @!p0 $0xA080;
	[sflag:s23] =	ssyncadd.s32 @!p0 $0xFFFFFFB0  }
0x23: {  	[tilespmem:s24], [sflag:$0x3] =	stream.linear.gather @!p0 [hbm4b:s4+s22], $0x50, $0x38;
	[tilespmem:$0xE400] =	vst v63  }
0x24: {  	_ =	swait.ge @!p0 [sflag:s23], $0x50  }
0x25: {  	[sflag:s23] =	ssyncset.done @!p0 $0x0  }
0x26: {  	s24 =	simm.s32 @!p0 $0xA100;
	[sflag:s23] =	ssyncadd.s32 @!p0 $0xFFFFFFB0  }
0x27: {  	[tilespmem:s24], [sflag:$0x3] =	stream.linear.gather @!p0 [hbm4b:s5+s22], $0x50, $0x38;
	[tilespmem:$0xE400] =	vst v63  }
0x28: {  	_ =	swait.ge @!p0 [sflag:s23], $0x50  }
0x29: {  	[sflag:s23] =	ssyncset.done @!p0 $0x0  }
0x2a: {  	s24 =	simm.s32 @!p0 $0xA180;
	[sflag:s23] =	ssyncadd.s32 @!p0 $0xFFFFFFB0  }
0x2b: {  	[tilespmem:s24], [sflag:$0x3] =	stream.linear.gather @!p0 [hbm4b:s6+s22], $0x50, $0x38;
	[tilespmem:$0xE400] =	vst v63  }
0x2c: {  	_ =	swait.ge @!p0 [sflag:s23], $0x50  }
0x2d: {  	[sflag:s23] =	ssyncset.done @!p0 $0x0  }
0x2e: {  	[sflag:s23] =	ssyncadd.s32 @!p0 $0xFFFFFFB0  }
0x2f: {  	[tilespmem:s22], [sflag:$0x2] =	stream.linear.gather @!p0 [hbm4b:s7+s22], $0x2800, $0x38;
	[tilespmem:$0xE400] =	vst v63  }
0x30: {  	s23 =	simm.s32 @!p0 $0x2800  }
0x31: {  	[tilespmem:s23], [sflag:$0x2] =	stream.linear.gather @!p0 [hbm4b:s8+s22], $0x2800, $0x38;
	[tilespmem:$0xE400] =	vst v63  }
.Ltmp0:
0x32: {  	s23 =	simm.s32 @!p0 $0x5000;
	(pc) =	sbr.rel @p1 .LBB2_5-.Ltmp0, $4  }
0x33: {  	[tilespmem:s23], [sflag:$0x2] =	stream.linear.gather @!p0 [hbm4b:s9+s22], $0x2800, $0x38;
	[tilespmem:$0xE400] =	vst v63  }
0x34: {  	s22 =	simm.s32 @!p0 $0x7800  }
0x35: {  	s22 =	simm.s32 @p0 $0x0  }
0x36: {  	[tilespmem:s22], [sflag:$0x2] =	stream.linear.gather [hbm4b:s10+s2], $0x2800, $0x38;
	[tilespmem:$0xE400] =	vst v63  }
0x37: {  	s22 =	sshra.s32 s2, $0x2;
	s23 =	sadd.s32 $0x200, s2  }
.LBB2_3:
0x38: {  	p2 =	sne.s32 s23, $0x7E00;
	[tilespmem:s22+$0xC270] =	vst v0  }
0x39: {  	[tilespmem:s22+$0xC200] =	vst v0  }
0x3a: {  	[tilespmem:s22+$0xC210] =	vst v0  }
.Ltmp1:
0x3b: {  	[tilespmem:s22+$0xC220] =	vst v0;
	(pc) =	sbr.rel @p2 .LBB2_3-.Ltmp1, $4  }
0x3c: {  	[tilespmem:s22+$0xC230] =	vst v0  }
0x3d: {  	[tilespmem:s22+$0xC240] =	vst v0  }
0x3e: {  	[tilespmem:s22+$0xC250] =	vst v0  }
0x3f: {  	[tilespmem:s22+$0xC260] =	vst v0;
	s22 =	sshra.s32 s23, $0x2;
	s23 =	sadd.s32 $0x200, s23  }
0x40: {  	[tilespmem:s22+$0xC270] =	vst v0  }
0x41: {  	[tilespmem:s22+$0xC200] =	vst v0  }
0x42: {  	[tilespmem:s22+$0xC210] =	vst v0  }
0x43: {  	[tilespmem:s22+$0xC220] =	vst v0  }
0x44: {  	[tilespmem:s22+$0xC230] =	vst v0  }
0x45: {  	[tilespmem:s22+$0xC240] =	vst v0  }
0x46: {  	[tilespmem:s22+$0xC250] =	vst v0  }
0x47: {  	[tilespmem:s22+$0xC260] =	vst v0  }
0x48: {  	[spmem:s1] =	stream.linear.scatter [tilespmem:s16], [sflag:$0x3], $0x2000, $0x38;
	[tilespmem:$0xE400] =	vst v63  }
0x49: {  	_ =	swait.ge [sflag:s17], $0x2000  }
0x4a: {  	[sflag:s17] =	ssyncset.done $0x0  }
0x4b: {  	[sflag:s17] =	ssyncadd.s32 $0xFFFFE000  }
.LBB2_5:
0x4c: {  	s22 =	simm.s32 $0x0;
	s23 =	simm.s32 $0x0  }
.LBB2_6:
0x4d: {  	p2 =	sne.s32 s23, $0x7E00  }
.Ltmp2:
0x4e: {  	_ = 	snop;
	(pc) =	sbr.rel @p2 .LBB2_6-.Ltmp2, $3  }
0x4f: {  	_ =	sdelay $0x1  }
0x50: {  	s24 =	sshra.s32 s23, $0x2  }
0x51: {  	s23 =	sadd.s32 $0x200, s23;
	[tilespmem:s24+$0xA200] =	vst v0  }
0x52: {  	s22 =	smulhi.u32 $0xCCCCCCCD, s22;
	p3 =	sne.s32 s12, $0x1  }
.Ltmp3:
0x53: {  	_ = 	snop;
	(pc) =	sbr.rel @!p3 .LBB2_8-.Ltmp3, $4  }
0x54: {  	s22 =	sshrl.u32 s22, $0x2  }
0x55: {  	s24 =	smul.u32 $0xC0, s22  }
0x56: {  	s23 =	simm.s32 $0x1  }
0x57: {  	p2 =	por $0x0, $0x0;
	s22 =	simm.s32 $0xA000;
	s24 =	sshra.s32 s24, $0x2  }
0x58: {  	s22 =	sadd.s32 $0xA000, s24  }
0x59: {  	v2 =	vld [tilespmem:s22+$0x0];
	_ =	sdelay $0x4  }
0x5a: {  	v2 =	vshll.u32 v2, $0x9  }
0x5b: {  	v2 =	vshra.s32 v2, $0x2  }
0x5c: {  	v2 =	vadd.s32 $0xA200, v2  }
0x5d: {  	(v2sf) =	vpush v2, $0x0  }
0x5e: {  	(v2sf) =	vpush v2, $0x1  }
0x5f: {  	(v2sf) =	vpush v2, $0x2  }
0x60: {  	(v2sf) =	vpush v2, $0x3  }
0x61: {  	(v2sf) =	vpush v2, $0x4  }
0x62: {  	(v2sf) =	vpush v2, $0x5  }
0x63: {  	(v2sf) =	vpush v2, $0x6  }
0x64: {  	(v2sf) =	vpush v2, $0x7  }
0x65: {  	(v2sf) =	vpush v2, $0x8  }
0x66: {  	(v2sf) =	vpush v2, $0x9  }
0x67: {  	(v2sf) =	vpush v2, $0xA  }
0x68: {  	(v2sf) =	vpush v2, $0xB  }
0x69: {  	(v2sf) =	vpush v2, $0xC  }
0x6a: {  	(v2sf) =	vpush v2, $0xD  }
0x6b: {  	(v2sf) =	vpush v2, $0xE  }
0x6c: {  	s30 =	spop (v2sf);
	(v2sf) =	vpush v2, $0xF  }
0x6d: {  	[tilespmem:s30+$0x0] =	vst.add.f32.msk $0xffff, v1;
	s31 =	spop (v2sf)  }
0x6e: {  	[tilespmem:s31+$0x0] =	vst.add.f32.msk $0xffff, v1;
	s24 =	spop (v2sf)  }
0x6f: {  	[tilespmem:s24+$0x0] =	vst.add.f32.msk $0xffff, v1;
	s25 =	spop (v2sf)  }
0x70: {  	[tilespmem:s25+$0x0] =	vst.add.f32.msk $0xffff, v1;
	s26 =	spop (v2sf)  }
0x71: {  	[tilespmem:s26+$0x0] =	vst.add.f32.msk $0xffff, v1;
	s28 =	spop (v2sf)  }
0x72: {  	[tilespmem:s28+$0x0] =	vst.add.f32.msk $0xffff, v1;
	s29 =	spop (v2sf)  }
0x73: {  	[tilespmem:s29+$0x0] =	vst.add.f32.msk $0xffff, v1;
	s30 =	spop (v2sf)  }
0x74: {  	[tilespmem:s30+$0x0] =	vst.add.f32.msk $0xffff, v1;
	s31 =	spop (v2sf)  }
0x75: {  	[tilespmem:s31+$0x0] =	vst.add.f32.msk $0xffff, v1;
	s24 =	spop (v2sf)  }
0x76: {  	s23 =	smulhi.u32 $0xCCCCCCCD, s23;
	p3 =	sne.s32 s12, $0x2;
	[tilespmem:s24+$0x0] =	vst.add.f32.msk $0xffff, v1;
	s25 =	spop (v2sf)  }
.Ltmp4:
0x77: {  	[tilespmem:s25+$0x0] =	vst.add.f32.msk $0xffff, v1;
	s26 =	spop (v2sf);
	(pc) =	sbr.rel @!p3 .LBB2_11-.Ltmp4, $4  }
0x78: {  	s23 =	sshrl.u32 s23, $0x2;
	[tilespmem:s26+$0x0] =	vst.add.f32.msk $0xffff, v1;
	s28 =	spop (v2sf)  }
0x79: {  	s29 =	smul.u32 $0xC0, s23;
	[tilespmem:s28+$0x0] =	vst.add.f32.msk $0xffff, v1;
	s30 =	spop (v2sf)  }
0x7a: {  	p2 =	por $0x1, $0x1;
	s22 =	simm.s32 $0xA010;
	[tilespmem:s30+$0x0] =	vst.add.f32.msk $0xffff, v1;
	s31 =	spop (v2sf)  }
0x7b: {  	s23 =	simm.s32 $0x2;
	s24 =	sshra.s32 s29, $0x2;
	[tilespmem:s31+$0x0] =	vst.add.f32.msk $0xffff, v1;
	s25 =	spop (v2sf)  }
.LBB2_10:
0x7c: {  	s26 =	sadd.s32 s24, s22;
	[tilespmem:s25+$0x0] =	vst.add.f32.msk $0xffff, v1;
	s24 =	smov.u32 s23;
	s23 =	sadd.s32 $0x1, s23  }
0x7d: {  	p3 =	sne.s32 s12, s23;
	v2 =	vld [tilespmem:s26+$0x0];
	_ =	sdelay $0x4  }
0x7e: {  	v2 =	vshll.u32 v2, $0x9  }
0x7f: {  	v2 =	vshra.s32 v2, $0x2  }
0x80: {  	v2 =	vadd.s32 $0xA200, v2  }
0x81: {  	(v2sf) =	vpush v2, $0x0  }
0x82: {  	(v2sf) =	vpush v2, $0x1  }
0x83: {  	(v2sf) =	vpush v2, $0x2  }
0x84: {  	(v2sf) =	vpush v2, $0x3  }
0x85: {  	(v2sf) =	vpush v2, $0x4  }
0x86: {  	(v2sf) =	vpush v2, $0x5  }
0x87: {  	(v2sf) =	vpush v2, $0x6  }
0x88: {  	(v2sf) =	vpush v2, $0x7  }
0x89: {  	(v2sf) =	vpush v2, $0x8  }
0x8a: {  	(v2sf) =	vpush v2, $0x9  }
0x8b: {  	(v2sf) =	vpush v2, $0xA  }
0x8c: {  	(v2sf) =	vpush v2, $0xB  }
0x8d: {  	(v2sf) =	vpush v2, $0xC  }
0x8e: {  	(v2sf) =	vpush v2, $0xD  }
0x8f: {  	(v2sf) =	vpush v2, $0xE  }
0x90: {  	s25 =	spop (v2sf);
	(v2sf) =	vpush v2, $0xF  }
0x91: {  	[tilespmem:s25+$0x0] =	vst.add.f32.msk $0xffff, v1;
	s25 =	spop (v2sf)  }
0x92: {  	[tilespmem:s25+$0x0] =	vst.add.f32.msk $0xffff, v1;
	s25 =	spop (v2sf)  }
0x93: {  	[tilespmem:s25+$0x0] =	vst.add.f32.msk $0xffff, v1;
	s25 =	spop (v2sf)  }
0x94: {  	[tilespmem:s25+$0x0] =	vst.add.f32.msk $0xffff, v1;
	s25 =	spop (v2sf)  }
0x95: {  	[tilespmem:s25+$0x0] =	vst.add.f32.msk $0xffff, v1;
	s25 =	spop (v2sf)  }
0x96: {  	[tilespmem:s25+$0x0] =	vst.add.f32.msk $0xffff, v1;
	s25 =	spop (v2sf)  }
0x97: {  	[tilespmem:s25+$0x0] =	vst.add.f32.msk $0xffff, v1;
	s25 =	spop (v2sf)  }
0x98: {  	[tilespmem:s25+$0x0] =	vst.add.f32.msk $0xffff, v1;
	s25 =	spop (v2sf)  }
0x99: {  	[tilespmem:s25+$0x0] =	vst.add.f32.msk $0xffff, v1;
	s25 =	spop (v2sf)  }
0x9a: {  	s24 =	smulhi.u32 $0xCCCCCCCD, s24;
	[tilespmem:s25+$0x0] =	vst.add.f32.msk $0xffff, v1;
	s25 =	spop (v2sf)  }
.Ltmp5:
0x9b: {  	[tilespmem:s25+$0x0] =	vst.add.f32.msk $0xffff, v1;
	s25 =	spop (v2sf);
	(pc) =	sbr.rel @p3 .LBB2_10-.Ltmp5, $4  }
0x9c: {  	s24 =	sshrl.u32 s24, $0x2;
	[tilespmem:s25+$0x0] =	vst.add.f32.msk $0xffff, v1;
	s25 =	spop (v2sf)  }
0x9d: {  	s24 =	smul.u32 $0xC0, s24;
	[tilespmem:s25+$0x0] =	vst.add.f32.msk $0xffff, v1;
	s25 =	spop (v2sf)  }
0x9e: {  	[tilespmem:s25+$0x0] =	vst.add.f32.msk $0xffff, v1;
	s25 =	spop (v2sf)  }
0x9f: {  	s22 =	sadd.s32 $0x10, s22;
	s24 =	sshra.s32 s24, $0x2;
	[tilespmem:s25+$0x0] =	vst.add.f32.msk $0xffff, v1;
	s25 =	spop (v2sf)  }
.LBB2_11:
0xa0: {  	s22 =	sadd.s32 s24, s22;
	[tilespmem:s25+$0x0] =	vst.add.f32.msk @p2 $0xffff, v1  }
0xa1: {  	v2 =	vld [tilespmem:s22+$0x0];
	_ =	sdelay $0x4  }
0xa2: {  	v2 =	vshll.u32 v2, $0x9  }
0xa3: {  	v2 =	vshra.s32 v2, $0x2  }
0xa4: {  	v2 =	vadd.s32 $0xA200, v2  }
0xa5: {  	(v2sf) =	vpush v2, $0x0  }
0xa6: {  	(v2sf) =	vpush v2, $0x1  }
0xa7: {  	(v2sf) =	vpush v2, $0x2  }
0xa8: {  	(v2sf) =	vpush v2, $0x3  }
0xa9: {  	(v2sf) =	vpush v2, $0x4  }
0xaa: {  	(v2sf) =	vpush v2, $0x5  }
0xab: {  	(v2sf) =	vpush v2, $0x6  }
0xac: {  	(v2sf) =	vpush v2, $0x7  }
0xad: {  	(v2sf) =	vpush v2, $0x8  }
0xae: {  	(v2sf) =	vpush v2, $0x9  }
0xaf: {  	(v2sf) =	vpush v2, $0xA  }
0xb0: {  	(v2sf) =	vpush v2, $0xB  }
0xb1: {  	(v2sf) =	vpush v2, $0xC  }
0xb2: {  	(v2sf) =	vpush v2, $0xD  }
0xb3: {  	(v2sf) =	vpush v2, $0xE  }
0xb4: {  	s23 =	spop (v2sf);
	(v2sf) =	vpush v2, $0xF  }
0xb5: {  	[tilespmem:s23+$0x0] =	vst.add.f32.msk $0xffff, v1;
	s24 =	spop (v2sf)  }
0xb6: {  	[tilespmem:s24+$0x0] =	vst.add.f32.msk $0xffff, v1;
	s25 =	spop (v2sf)  }
0xb7: {  	[tilespmem:s25+$0x0] =	vst.add.f32.msk $0xffff, v1;
	s26 =	spop (v2sf)  }
0xb8: {  	[tilespmem:s26+$0x0] =	vst.add.f32.msk $0xffff, v1;
	s28 =	spop (v2sf)  }
0xb9: {  	[tilespmem:s28+$0x0] =	vst.add.f32.msk $0xffff, v1;
	s29 =	spop (v2sf)  }
0xba: {  	[tilespmem:s29+$0x0] =	vst.add.f32.msk $0xffff, v1;
	s30 =	spop (v2sf)  }
0xbb: {  	[tilespmem:s30+$0x0] =	vst.add.f32.msk $0xffff, v1;
	s31 =	spop (v2sf)  }
0xbc: {  	[tilespmem:s31+$0x0] =	vst.add.f32.msk $0xffff, v1;
	s23 =	spop (v2sf)  }
0xbd: {  	[tilespmem:s23+$0x0] =	vst.add.f32.msk $0xffff, v1;
	s24 =	spop (v2sf)  }
0xbe: {  	[tilespmem:s24+$0x0] =	vst.add.f32.msk $0xffff, v1;
	s25 =	spop (v2sf)  }
0xbf: {  	[tilespmem:s25+$0x0] =	vst.add.f32.msk $0xffff, v1;
	s26 =	spop (v2sf)  }
0xc0: {  	[tilespmem:s26+$0x0] =	vst.add.f32.msk $0xffff, v1;
	s28 =	spop (v2sf)  }
0xc1: {  	[tilespmem:s28+$0x0] =	vst.add.f32.msk $0xffff, v1;
	s29 =	spop (v2sf)  }
0xc2: {  	[tilespmem:s29+$0x0] =	vst.add.f32.msk $0xffff, v1;
	s30 =	spop (v2sf)  }
0xc3: {  	[tilespmem:s30+$0x0] =	vst.add.f32.msk $0xffff, v1;
	s31 =	spop (v2sf)  }
0xc4: {  	[tilespmem:s31+$0x0] =	vst.add.f32.msk $0xffff, v1  }
0xc5: {  	[bflag:$0x0] =	sbarrier.arrive $0xFFFF  }
0xc6: {  	_ =	swait.ge [sflag:s18], $0x2800  }
0xc7: {  	s22 =	simm.s32 @p0 $0x50;
	[sflag:s18] =	ssyncset.done $0x0  }
0xc8: {  	s23 =	simm.s32 @p0 $0xA000;
	s24 =	simm.s32 @p0 $0x0;
	[sflag:s18] =	ssyncadd.s32 $0xFFFFD800  }
0xc9: {  	[spmem:s1] =	stream.indirect.scatter.add.f32 @p0 [tilespmem:s24], [sflag:$0x1], $0x80, s23, s22, $0xb8;
	[tilespmem:$0xE400] =	vst v63  }
0xca: {  	s22 =	simm.s32 @!p0 $0x2  }
0xcb: {  	_ =	swait.ge @!p0 [sflag:s22], $0x2800  }
0xcc: {  	[sflag:s22] =	ssyncset.done @!p0 $0x0  }
0xcd: {  	[sflag:s22] =	ssyncadd.s32 @!p0 $0xFFFFD800  }
0xce: {  	_ =	swait.ge @!p0 [sflag:s22], $0x2800  }
0xcf: {  	[sflag:s22] =	ssyncset.done @!p0 $0x0  }
0xd0: {  	[sflag:s22] =	ssyncadd.s32 @!p0 $0xFFFFD800  }
0xd1: {  	_ =	swait.ge @!p0 [sflag:s22], $0x2800  }
0xd2: {  	s23 =	simm.s32 @!p0 $0xA000;
	[sflag:s22] =	ssyncset.done @!p0 $0x0  }
0xd3: {  	s24 =	simm.s32 @!p0 $0x0;
	[sflag:s22] =	ssyncadd.s32 @!p0 $0xFFFFD800;
	s22 =	simm.s32 @!p0 $0x50  }
0xd4: {  	[spmem:s1] =	stream.indirect.scatter.add.f32 @!p0 [tilespmem:s24], [sflag:$0x1], $0x80, s23, s22, $0xb8;
	[tilespmem:$0xE400] =	vst v63  }
0xd5: {  	s23 =	simm.s32 @!p0 $0xA080;
	s24 =	simm.s32 @!p0 $0x2800  }
0xd6: {  	[spmem:s1] =	stream.indirect.scatter.add.f32 @!p0 [tilespmem:s24], [sflag:$0x1], $0x80, s23, s22, $0xb8;
	[tilespmem:$0xE400] =	vst v63  }
0xd7: {  	s23 =	simm.s32 @!p0 $0xA100;
	s24 =	simm.s32 @!p0 $0x5000  }
0xd8: {  	[spmem:s1] =	stream.indirect.scatter.add.f32 @!p0 [tilespmem:s24], [sflag:$0x1], $0x80, s23, s22, $0xb8;
	[tilespmem:$0xE400] =	vst v63  }
0xd9: {  	s23 =	simm.s32 @!p0 $0xA180;
	s24 =	simm.s32 @!p0 $0x7800  }
0xda: {  	[spmem:s1] =	stream.indirect.scatter.add.f32 @!p0 [tilespmem:s24], [sflag:$0x1], $0x80, s23, s22, $0xb8;
	[tilespmem:$0xE400] =	vst v63  }
0xdb: {  	s22 =	simm.s32 @!p0 $0x1  }
0xdc: {  	_ =	swait.ge @!p0 [sflag:s22], $0x2800  }
0xdd: {  	[sflag:s22] =	ssyncset.done @!p0 $0x0  }
0xde: {  	[sflag:s22] =	ssyncadd.s32 @!p0 $0xFFFFD800  }
0xdf: {  	_ =	swait.ge @!p0 [sflag:s22], $0x2800  }
0xe0: {  	[sflag:s22] =	ssyncset.done @!p0 $0x0  }
0xe1: {  	[sflag:s22] =	ssyncadd.s32 @!p0 $0xFFFFD800  }
0xe2: {  	_ =	swait.ge @!p0 [sflag:s22], $0x2800  }
0xe3: {  	[sflag:s22] =	ssyncset.done @!p0 $0x0  }
0xe4: {  	[sflag:s22] =	ssyncadd.s32 @!p0 $0xFFFFD800  }
0xe5: {  	_ =	swait.ge [sflag:s19], $0x2800  }
0xe6: {  	[sflag:s19] =	ssyncset.done $0x0  }
0xe7: {  	[sflag:s19] =	ssyncadd.s32 $0xFFFFD800  }
0xe8: {  	s23 =	simm.s32 @!p1 $0x1C03;
	s22 =	sshrl.u32 @!p1 s1, $0x3;
	[bflag:$0x0] =	sbarrier.arrive $0xFFFF  }
0xe9: {  	[hbm:s13], [sflag:s23] =	dma.local @!p1 [spmem:s22], $0x400  }
0xea: {  	s22 =	simm.s32 @!p1 $0x3  }
0xeb: {  	_ =	swait.ge @!p1 [sflag:s22], $0x400  }
0xec: {  	s21 =	sadd.s32 $0x1, s21;
	[sflag:s22] =	ssyncset.done @!p1 $0x0  }
0xed: {  	p2 =	sne.s32 s21, s15;
	[sflag:s22] =	ssyncadd.s32 @!p1 $0xFFFFFC00  }
0xee: {  	[hbm4b:s14+s2] =	stream.linear.scatter [tilespmem:s20], [sflag:$0x3], $0x2000, $0x38;
	[tilespmem:$0xE400] =	vst v63  }
.Ltmp6:
0xef: {  	_ = 	snop;
	(pc) =	sbr.rel @p2 .LBB2_1-.Ltmp6, $4  }
.Ltmp7:
0xf0: {  	_ = 	snop;
	(pc) =	sbr.rel @!p2 .LBB2_12-.Ltmp7, $4  }
0xf1: {  	_ =	swait.ge [sflag:s17], $0x2000  }
0xf2: {  	[sflag:s17] =	ssyncset.done $0x0  }
0xf3: {  	[sflag:s17] =	ssyncadd.s32 $0xFFFFE000  }
0xf4: {  	_ = 	snop  }
.LBB2_8:
.Ltmp8:
0xf5: {  	(pc) =	sbr.rel .LBB2_11-.Ltmp8, $2  }
0xf6: {  	_ =	sdelay $0x2  }
0xf7: {  	_ = 	snop  }
.LBB2_12:
0xf8: {  	_ =	sfence.sel $0x180000  }
0xf9: {  	[bflag:$0x0] =	sbarrier.arrive $0xFFFF  }
0xfa: {  	_ =	strace $0x90000047  }
0xfb: {  	s0 =	sadd.s32 @!p1 $0x100000, s0;
	[bflag:$0x2] =	sbarrier.arrive $0xFFFF  }
0xfc: {  	[sflag:s0] =	ssyncadd.tile.s32 @!p1 $0x1;
	_ =	shalt  }
.Lfunc_end2:
_tile_overlayer_lowered:
.L_overlay_start_2:
0xfd: {  	(tag) =	ssettag $0x2  }
0xfe: {  	s0 =	rddreg [dreg:$0x0];
	s2 =	stileid.u32  }
0xff: {  	s1 =	rddreg [dreg:$0x1];
	p0 =	sne.s32 s2, $0x0  }
0x100: {  	s3 =	rddreg [dreg:$0x2];
	[bflag:$0x3] =	sbarrier.arrive $0xFFFF;
	s2 =	simm.s32 @!p0 $0x1C03  }
0x101: {  	[timem:s3], [sflag:s2] =	dma.local @!p0 [hbm:s0], s1  }
0x102: {  	s0 =	simm.s32 @!p0 $0x3  }
0x103: {  	_ =	swait.ge @!p0 [sflag:s0], s1  }
0x104: {  	s1 =	ssub.s32 @!p0 $0x0, s1;
	[sflag:s0] =	ssyncset.done @!p0 $0x0  }
0x105: {  	[sflag:s0] =	ssyncadd.s32 @!p0 s1  }
0x106: {  	[bflag:$0x3] =	sbarrier.arrive $0xFFFF  }
0x107: {  	_ =	shalt  }

</sc_bundles>
